<compile_context>
chip_gen: v7x
topology: tpu7x:2x2x1
jax: 0.10.2.dev20260603
libtpu: 0.0.44.dev20260713+nightly
codegen_flags: <defaults>
</compile_context>

<pallas_src>
import functools

import jax
import jax.numpy as jnp
from jax import lax
from jax.experimental import pallas as pl
from jax.experimental.pallas import tpu as pltpu
from jax.experimental.pallas import tpu_sc as plsc

_CHUNK = 128
_NBUF = 5
_W = 128


@functools.partial(jax.jit, static_argnums=(0,))
def _run(total_rows, ids_flat, table_pad, off16):
    D = _W // 2
    info = plsc.get_sparse_core_info()
    NC, NS, L = info.num_cores, info.num_subcores, info.num_lanes
    NW = NC * NS
    rows_per_w = total_rows // NW
    n_chunks = rows_per_w // _CHUNK
    mesh = plsc.VectorSubcoreMesh(core_axis_name="c", subcore_axis_name="s")

    @functools.partial(
        pl.kernel,
        mesh=mesh,
        out_type=jax.ShapeDtypeStruct((total_rows, _W), jnp.float32),
        compiler_params=pltpu.CompilerParams(use_tc_tiling_on_sc=False),
        scratch_types=[
            pltpu.VMEM((rows_per_w,), jnp.int32),
            pltpu.VMEM((L,), jnp.int32),
            pltpu.VMEM((_NBUF, _CHUNK, _W), jnp.float32),
            pltpu.SemaphoreType.DMA,
            pltpu.SemaphoreType.DMA,
        ],
    )
    def k(ids_hbm, table_hbm, off_hbm, out_hbm, idx_v, off_v, rows_v, sem_g, sem_s):
        wid = lax.axis_index("s") * NC + lax.axis_index("c")
        base_row = wid * rows_per_w
        pltpu.sync_copy(ids_hbm.at[pl.ds(base_row, rows_per_w)], idx_v)
        pltpu.sync_copy(off_hbm, off_v)
        off = off_v[...]

        def shift_ids(j):
            for kk in range(_CHUNK // L):
                sl = pl.ds(j * _CHUNK + kk * L, L)
                idx_v[sl] = idx_v[sl] + off

        def fire_gather(j, b):
            pltpu.async_copy(
                table_hbm.at[idx_v.at[pl.ds(j * _CHUNK, _CHUNK)]],
                rows_v.at[b], sem_g,
            )

        def wait_gather(b):
            pltpu.make_async_copy(
                table_hbm.at[idx_v.at[pl.ds(0, _CHUNK)]],
                rows_v.at[b], sem_g,
            ).wait()

        def fire_scatter(j, b):
            pltpu.async_copy(
                rows_v.at[b, slice(None), pl.ds(0, D)],
                out_hbm.at[pl.ds(base_row + j * _CHUNK, _CHUNK), pl.ds(0, D)],
                sem_s,
            )

        def wait_scatter(b):
            pltpu.make_async_copy(
                out_hbm.at[pl.ds(base_row, _CHUNK), pl.ds(0, D)],
                rows_v.at[b, slice(None), pl.ds(0, D)], sem_s,
            ).wait()

        for b in range(_NBUF):
            shift_ids(b)
            fire_gather(b, b)

        def body(j0, carry):
            for b in range(_NBUF):
                j = j0 * _NBUF + b
                wait_gather(b)
                fire_scatter(j, b)

                @pl.when(j + _NBUF < n_chunks)
                def _():
                    shift_ids(j + _NBUF)
                    wait_scatter(b)
                    fire_gather(j + _NBUF, b)

            return carry

        lax.fori_loop(0, n_chunks // _NBUF, body, 0)
        for b in range(_NBUF):
            wait_scatter(b)

    return k(ids_flat, table_pad, off16)


def kernel(input_ids, table, offsets):
    B, T, H = input_ids.shape
    N, D = table.shape
    total = B * T * H
    ids_flat = input_ids.astype(jnp.int32).reshape(total)
    off16 = jnp.tile(offsets.astype(jnp.int32), 16 // H)
    table_pad = jnp.pad(table, ((0, 0), (0, _W - D)))
    out_pad = _run(total, ids_flat, table_pad, off16)
    return lax.slice(out_pad, (0, 0), (total, D)).reshape(B, T, H, D)

# --- scband reference (transcript-rebuilt; emitter-appended) ---
"""Pipeline reference for scband-multi-head-embedding-2937757630926 (READ-ONLY COPY).

The authoritative reference and input builder live on the scoring server;
editing this copy changes nothing except your own understanding.
"""

import jax, jax.numpy as jnp
import numpy as np

LIST_OF_N = [100000, 100000, 100000, 100000]
D = 64


def setup_inputs(seed: int = 0) -> dict:
    key = jax.random.key(seed)
    k_ids, k_tab = jax.random.split(key)
    B, T, H = 1024, 50, len(LIST_OF_N)
    input_ids = jax.random.randint(k_ids, (B, T, H), 0, LIST_OF_N[0], dtype=jnp.int64 if jax.config.jax_enable_x64 else jnp.int32)
    offs = [0]
    for n in LIST_OF_N[:-1]:
        offs.append(offs[-1] + n)
    offsets = jnp.asarray(offs, dtype=input_ids.dtype)
    total_N = sum(LIST_OF_N)
    table = jax.random.normal(k_tab, (total_N, D), dtype=jnp.float32)
    return {"input_ids": input_ids, "table": table, "offsets": offsets}


def reference(input_ids, table, offsets):
    # shift each head's ids into its non-overlapping region of the packed table
    shifted = input_ids + offsets  # [B, T, H] + [H] broadcast
    return jnp.take(table, shifted, axis=0)  # [B, T, H, D]

if __name__ == "__main__":
    import jax
    _d = setup_inputs()
    print(jax.jit(kernel)(*tuple(_d.values())))

</pallas_src>

<mosaic_0001>
#map = affine_map<(d0, d1) -> (0)>
#map1 = affine_map<(d0, d1) -> (0, 0)>
module attributes {stable_mosaic.version = 14 : i64} {
  func.func @k(%arg0: i32, %arg1: i32, %arg2: memref<204800xi32, #tpu.memory_space<hbm>>, %arg3: memref<400000x128xf32, #tpu.memory_space<hbm>>, %arg4: memref<16xi32, #tpu.memory_space<hbm>>, %arg5: memref<204800x128xf32, #tpu.memory_space<hbm>>, %arg6: memref<6400xi32, #tpu.memory_space<vmem>>, %arg7: memref<16xi32, #tpu.memory_space<vmem>>, %arg8: memref<5x128x128xf32, #tpu.memory_space<vmem>>, %arg9: memref<!tpu.dma_semaphore, #tpu.memory_space<semaphore_mem>>, %arg10: memref<!tpu.dma_semaphore, #tpu.memory_space<semaphore_mem>>) attributes {dimension_semantics = [#tpu.dimension_semantics<core_parallel>, #tpu.dimension_semantics<subcore_parallel>], iteration_bounds = array<i64: 2, 16>, scalar_prefetch = 0 : i64, scratch_operands = 5 : i64, tpu.core_type = #tpu.core_type<sc_vector_subcore>, window_params = [{transform_indices = #map}, {transform_indices = #map1}, {transform_indices = #map}, {transform_indices = #map1}]} {
    %mul3A = arith.constant 2 : i32
    %mul3A_0 = arith.muli %arg1, %mul3A : i32
    %add3A = arith.addi %mul3A_0, %arg0 : i32
    %mul3A_1 = arith.constant 6400 : i32
    %mul3A_2 = arith.muli %add3A, %mul3A_1 : i32
    "tpu.region"() ({
      %run_scoped3A = tpu.sem_alloc : memref<!tpu.dma_semaphore, #tpu.memory_space<semaphore_mem>>
      %dma_start3A_442 = tpu.memref_slice %arg2[%mul3A_2] : memref<204800xi32, #tpu.memory_space<hbm>> -> memref<6400xi32, #tpu.memory_space<hbm>>
      %dma_start3A_443 = tpu.memref_slice %arg2[%mul3A_2] : memref<204800xi32, #tpu.memory_space<hbm>> -> memref<6400xi32, #tpu.memory_space<hbm>>
      tpu.enqueue_dma source(%dma_start3A_443 : memref<6400xi32, #tpu.memory_space<hbm>>) target(%arg6 : memref<6400xi32, #tpu.memory_space<vmem>>) target_semaphore(%run_scoped3A : memref<!tpu.dma_semaphore, #tpu.memory_space<semaphore_mem>>)
      %dma_wait3A_444 = tpu.memref_slice %arg2[%mul3A_2] : memref<204800xi32, #tpu.memory_space<hbm>> -> memref<6400xi32, #tpu.memory_space<hbm>>
      %dma_wait3A_445 = tpu.memref_slice %arg2[%mul3A_2] : memref<204800xi32, #tpu.memory_space<hbm>> -> memref<6400xi32, #tpu.memory_space<hbm>>
      tpu.wait_dma2 semaphore(%run_scoped3A : memref<!tpu.dma_semaphore, #tpu.memory_space<semaphore_mem>>) src(%dma_wait3A_445 : memref<6400xi32, #tpu.memory_space<hbm>>) dst(%arg6 : memref<6400xi32, #tpu.memory_space<vmem>>)
      tpu.yield
    }) : () -> ()
    "tpu.region"() ({
      %run_scoped3A = tpu.sem_alloc : memref<!tpu.dma_semaphore, #tpu.memory_space<semaphore_mem>>
      tpu.enqueue_dma source(%arg4 : memref<16xi32, #tpu.memory_space<hbm>>) target(%arg7 : memref<16xi32, #tpu.memory_space<vmem>>) target_semaphore(%run_scoped3A : memref<!tpu.dma_semaphore, #tpu.memory_space<semaphore_mem>>)
      tpu.wait_dma2 semaphore(%run_scoped3A : memref<!tpu.dma_semaphore, #tpu.memory_space<semaphore_mem>>) src(%arg4 : memref<16xi32, #tpu.memory_space<hbm>>) dst(%arg7 : memref<16xi32, #tpu.memory_space<vmem>>)
      tpu.yield
    }) : () -> ()
    %get3A = arith.constant 0 : index
    %get3A_3 = tpu.vector_load %arg7[%get3A] {strides = array<i32>} : memref<16xi32, #tpu.memory_space<vmem>>, vector<16xi32>,
    %get3A_4 = vector.shape_cast %get3A_3 : vector<16xi32> to vector<16xi32>
    %get3A_5 = arith.constant 0 : index
    %get3A_6 = tpu.vector_load %arg6[%get3A_5] {strides = array<i32>} : memref<6400xi32, #tpu.memory_space<vmem>>, vector<16xi32>,
    %get3A_7 = vector.shape_cast %get3A_6 : vector<16xi32> to vector<16xi32>
    %add3A_8 = arith.addi %get3A_7, %get3A_4 : vector<16xi32>
    %swap3A = arith.constant 0 : index
    %swap3A_9 = tpu.vector_load %arg6[%swap3A] {strides = array<i32>} : memref<6400xi32, #tpu.memory_space<vmem>>, vector<16xi32>,
    %swap3A_10 = vector.shape_cast %swap3A_9 : vector<16xi32> to vector<16xi32>
    %swap3A_11 = vector.shape_cast %add3A_8 : vector<16xi32> to vector<16xi32>
    tpu.vector_store %arg6[%swap3A], %swap3A_11 {strides = array<i32>} : memref<6400xi32, #tpu.memory_space<vmem>>, vector<16xi32>,
    %get3A_12 = arith.constant 16 : index
    %get3A_13 = tpu.vector_load %arg6[%get3A_12] {strides = array<i32>} : memref<6400xi32, #tpu.memory_space<vmem>>, vector<16xi32>,
    %get3A_14 = vector.shape_cast %get3A_13 : vector<16xi32> to vector<16xi32>
    %add3A_15 = arith.addi %get3A_14, %get3A_4 : vector<16xi32>
    %swap3A_16 = arith.constant 16 : index
    %swap3A_17 = tpu.vector_load %arg6[%swap3A_16] {strides = array<i32>} : memref<6400xi32, #tpu.memory_space<vmem>>, vector<16xi32>,
    %swap3A_18 = vector.shape_cast %swap3A_17 : vector<16xi32> to vector<16xi32>
    %swap3A_19 = vector.shape_cast %add3A_15 : vector<16xi32> to vector<16xi32>
    tpu.vector_store %arg6[%swap3A_16], %swap3A_19 {strides = array<i32>} : memref<6400xi32, #tpu.memory_space<vmem>>, vector<16xi32>,
    %get3A_20 = arith.constant 32 : index
    %get3A_21 = tpu.vector_load %arg6[%get3A_20] {strides = array<i32>} : memref<6400xi32, #tpu.memory_space<vmem>>, vector<16xi32>,
    %get3A_22 = vector.shape_cast %get3A_21 : vector<16xi32> to vector<16xi32>
    %add3A_23 = arith.addi %get3A_22, %get3A_4 : vector<16xi32>
    %swap3A_24 = arith.constant 32 : index
    %swap3A_25 = tpu.vector_load %arg6[%swap3A_24] {strides = array<i32>} : memref<6400xi32, #tpu.memory_space<vmem>>, vector<16xi32>,
    %swap3A_26 = vector.shape_cast %swap3A_25 : vector<16xi32> to vector<16xi32>
    %swap3A_27 = vector.shape_cast %add3A_23 : vector<16xi32> to vector<16xi32>
    tpu.vector_store %arg6[%swap3A_24], %swap3A_27 {strides = array<i32>} : memref<6400xi32, #tpu.memory_space<vmem>>, vector<16xi32>,
    %get3A_28 = arith.constant 48 : index
    %get3A_29 = tpu.vector_load %arg6[%get3A_28] {strides = array<i32>} : memref<6400xi32, #tpu.memory_space<vmem>>, vector<16xi32>,
    %get3A_30 = vector.shape_cast %get3A_29 : vector<16xi32> to vector<16xi32>
    %add3A_31 = arith.addi %get3A_30, %get3A_4 : vector<16xi32>
    %swap3A_32 = arith.constant 48 : index
    %swap3A_33 = tpu.vector_load %arg6[%swap3A_32] {strides = array<i32>} : memref<6400xi32, #tpu.memory_space<vmem>>, vector<16xi32>,
    %swap3A_34 = vector.shape_cast %swap3A_33 : vector<16xi32> to vector<16xi32>
    %swap3A_35 = vector.shape_cast %add3A_31 : vector<16xi32> to vector<16xi32>
    tpu.vector_store %arg6[%swap3A_32], %swap3A_35 {strides = array<i32>} : memref<6400xi32, #tpu.memory_space<vmem>>, vector<16xi32>,
    %get3A_36 = arith.constant 64 : index
    %get3A_37 = tpu.vector_load %arg6[%get3A_36] {strides = array<i32>} : memref<6400xi32, #tpu.memory_space<vmem>>, vector<16xi32>,
    %get3A_38 = vector.shape_cast %get3A_37 : vector<16xi32> to vector<16xi32>
    %add3A_39 = arith.addi %get3A_38, %get3A_4 : vector<16xi32>
    %swap3A_40 = arith.constant 64 : index
    %swap3A_41 = tpu.vector_load %arg6[%swap3A_40] {strides = array<i32>} : memref<6400xi32, #tpu.memory_space<vmem>>, vector<16xi32>,
    %swap3A_42 = vector.shape_cast %swap3A_41 : vector<16xi32> to vector<16xi32>
    %swap3A_43 = vector.shape_cast %add3A_39 : vector<16xi32> to vector<16xi32>
    tpu.vector_store %arg6[%swap3A_40], %swap3A_43 {strides = array<i32>} : memref<6400xi32, #tpu.memory_space<vmem>>, vector<16xi32>,
    %get3A_44 = arith.constant 80 : index
    %get3A_45 = tpu.vector_load %arg6[%get3A_44] {strides = array<i32>} : memref<6400xi32, #tpu.memory_space<vmem>>, vector<16xi32>,
    %get3A_46 = vector.shape_cast %get3A_45 : vector<16xi32> to vector<16xi32>
    %add3A_47 = arith.addi %get3A_46, %get3A_4 : vector<16xi32>
    %swap3A_48 = arith.constant 80 : index
    %swap3A_49 = tpu.vector_load %arg6[%swap3A_48] {strides = array<i32>} : memref<6400xi32, #tpu.memory_space<vmem>>, vector<16xi32>,
    %swap3A_50 = vector.shape_cast %swap3A_49 : vector<16xi32> to vector<16xi32>
    %swap3A_51 = vector.shape_cast %add3A_47 : vector<16xi32> to vector<16xi32>
    tpu.vector_store %arg6[%swap3A_48], %swap3A_51 {strides = array<i32>} : memref<6400xi32, #tpu.memory_space<vmem>>, vector<16xi32>,
    %get3A_52 = arith.constant 96 : index
    %get3A_53 = tpu.vector_load %arg6[%get3A_52] {strides = array<i32>} : memref<6400xi32, #tpu.memory_space<vmem>>, vector<16xi32>,
    %get3A_54 = vector.shape_cast %get3A_53 : vector<16xi32> to vector<16xi32>
    %add3A_55 = arith.addi %get3A_54, %get3A_4 : vector<16xi32>
    %swap3A_56 = arith.constant 96 : index
    %swap3A_57 = tpu.vector_load %arg6[%swap3A_56] {strides = array<i32>} : memref<6400xi32, #tpu.memory_space<vmem>>, vector<16xi32>,
    %swap3A_58 = vector.shape_cast %swap3A_57 : vector<16xi32> to vector<16xi32>
    %swap3A_59 = vector.shape_cast %add3A_55 : vector<16xi32> to vector<16xi32>
    tpu.vector_store %arg6[%swap3A_56], %swap3A_59 {strides = array<i32>} : memref<6400xi32, #tpu.memory_space<vmem>>, vector<16xi32>,
    %get3A_60 = arith.constant 112 : index
    %get3A_61 = tpu.vector_load %arg6[%get3A_60] {strides = array<i32>} : memref<6400xi32, #tpu.memory_space<vmem>>, vector<16xi32>,
    %get3A_62 = vector.shape_cast %get3A_61 : vector<16xi32> to vector<16xi32>
    %add3A_63 = arith.addi %get3A_62, %get3A_4 : vector<16xi32>
    %swap3A_64 = arith.constant 112 : index
    %swap3A_65 = tpu.vector_load %arg6[%swap3A_64] {strides = array<i32>} : memref<6400xi32, #tpu.memory_space<vmem>>, vector<16xi32>,
    %swap3A_66 = vector.shape_cast %swap3A_65 : vector<16xi32> to vector<16xi32>
    %swap3A_67 = vector.shape_cast %add3A_63 : vector<16xi32> to vector<16xi32>
    tpu.vector_store %arg6[%swap3A_64], %swap3A_67 {strides = array<i32>} : memref<6400xi32, #tpu.memory_space<vmem>>, vector<16xi32>,
    %dma_start3A = arith.constant 0 : i32
    %dma_start3A_68 = arith.constant 0 : i32
    %dma_start3A_69 = arith.constant 0 : i32
    %dma_start3A_70 = tpu.memref_slice %arg8[%dma_start3A, %dma_start3A_68, %dma_start3A_69] : memref<5x128x128xf32, #tpu.memory_space<vmem>> -> memref<1x128x128xf32, #tpu.memory_space<vmem>>
    %dma_start3A_71 = tpu.memref_squeeze %dma_start3A_70 : memref<1x128x128xf32, #tpu.memory_space<vmem>> -> memref<128x128xf32, #tpu.memory_space<vmem>>
    %dma_start3A_72 = arith.constant 0 : i32
    %dma_start3A_73 = tpu.memref_slice %arg6[%dma_start3A_72] : memref<6400xi32, #tpu.memory_space<vmem>> -> memref<128xi32, #tpu.memory_space<vmem>>
    %dma_start3A_74 = arith.constant 0 : i32
    %dma_start3A_75 = arith.constant 0 : i32
    %dma_start3A_76 = tpu.memref_slice %arg3[%dma_start3A_74, %dma_start3A_75] : memref<400000x128xf32, #tpu.memory_space<hbm>> -> memref<400000x128xf32, #tpu.memory_space<hbm>>
    tpu.enqueue_indirect_dma source(%dma_start3A_76 : memref<400000x128xf32, #tpu.memory_space<hbm>>) target(%dma_start3A_71 : memref<128x128xf32, #tpu.memory_space<vmem>>) offsets(%dma_start3A_73 : memref<128xi32, #tpu.memory_space<vmem>>) semaphore(%arg9 : memref<!tpu.dma_semaphore, #tpu.memory_space<semaphore_mem>>)
    %get3A_77 = arith.constant 128 : index
    %get3A_78 = tpu.vector_load %arg6[%get3A_77] {strides = array<i32>} : memref<6400xi32, #tpu.memory_space<vmem>>, vector<16xi32>,
    %get3A_79 = vector.shape_cast %get3A_78 : vector<16xi32> to vector<16xi32>
    %add3A_80 = arith.addi %get3A_79, %get3A_4 : vector<16xi32>
    %swap3A_81 = arith.constant 128 : index
    %swap3A_82 = tpu.vector_load %arg6[%swap3A_81] {strides = array<i32>} : memref<6400xi32, #tpu.memory_space<vmem>>, vector<16xi32>,
    %swap3A_83 = vector.shape_cast %swap3A_82 : vector<16xi32> to vector<16xi32>
    %swap3A_84 = vector.shape_cast %add3A_80 : vector<16xi32> to vector<16xi32>
    tpu.vector_store %arg6[%swap3A_81], %swap3A_84 {strides = array<i32>} : memref<6400xi32, #tpu.memory_space<vmem>>, vector<16xi32>,
    %get3A_85 = arith.constant 144 : index
    %get3A_86 = tpu.vector_load %arg6[%get3A_85] {strides = array<i32>} : memref<6400xi32, #tpu.memory_space<vmem>>, vector<16xi32>,
    %get3A_87 = vector.shape_cast %get3A_86 : vector<16xi32> to vector<16xi32>
    %add3A_88 = arith.addi %get3A_87, %get3A_4 : vector<16xi32>
    %swap3A_89 = arith.constant 144 : index
    %swap3A_90 = tpu.vector_load %arg6[%swap3A_89] {strides = array<i32>} : memref<6400xi32, #tpu.memory_space<vmem>>, vector<16xi32>,
    %swap3A_91 = vector.shape_cast %swap3A_90 : vector<16xi32> to vector<16xi32>
    %swap3A_92 = vector.shape_cast %add3A_88 : vector<16xi32> to vector<16xi32>
    tpu.vector_store %arg6[%swap3A_89], %swap3A_92 {strides = array<i32>} : memref<6400xi32, #tpu.memory_space<vmem>>, vector<16xi32>,
    %get3A_93 = arith.constant 160 : index
    %get3A_94 = tpu.vector_load %arg6[%get3A_93] {strides = array<i32>} : memref<6400xi32, #tpu.memory_space<vmem>>, vector<16xi32>,
    %get3A_95 = vector.shape_cast %get3A_94 : vector<16xi32> to vector<16xi32>
    %add3A_96 = arith.addi %get3A_95, %get3A_4 : vector<16xi32>
    %swap3A_97 = arith.constant 160 : index
    %swap3A_98 = tpu.vector_load %arg6[%swap3A_97] {strides = array<i32>} : memref<6400xi32, #tpu.memory_space<vmem>>, vector<16xi32>,
    %swap3A_99 = vector.shape_cast %swap3A_98 : vector<16xi32> to vector<16xi32>
    %swap3A_100 = vector.shape_cast %add3A_96 : vector<16xi32> to vector<16xi32>
    tpu.vector_store %arg6[%swap3A_97], %swap3A_100 {strides = array<i32>} : memref<6400xi32, #tpu.memory_space<vmem>>, vector<16xi32>,
    %get3A_101 = arith.constant 176 : index
    %get3A_102 = tpu.vector_load %arg6[%get3A_101] {strides = array<i32>} : memref<6400xi32, #tpu.memory_space<vmem>>, vector<16xi32>,
    %get3A_103 = vector.shape_cast %get3A_102 : vector<16xi32> to vector<16xi32>
    %add3A_104 = arith.addi %get3A_103, %get3A_4 : vector<16xi32>
    %swap3A_105 = arith.constant 176 : index
    %swap3A_106 = tpu.vector_load %arg6[%swap3A_105] {strides = array<i32>} : memref<6400xi32, #tpu.memory_space<vmem>>, vector<16xi32>,
    %swap3A_107 = vector.shape_cast %swap3A_106 : vector<16xi32> to vector<16xi32>
    %swap3A_108 = vector.shape_cast %add3A_104 : vector<16xi32> to vector<16xi32>
    tpu.vector_store %arg6[%swap3A_105], %swap3A_108 {strides = array<i32>} : memref<6400xi32, #tpu.memory_space<vmem>>, vector<16xi32>,
    %get3A_109 = arith.constant 192 : index
    %get3A_110 = tpu.vector_load %arg6[%get3A_109] {strides = array<i32>} : memref<6400xi32, #tpu.memory_space<vmem>>, vector<16xi32>,
    %get3A_111 = vector.shape_cast %get3A_110 : vector<16xi32> to vector<16xi32>
    %add3A_112 = arith.addi %get3A_111, %get3A_4 : vector<16xi32>
    %swap3A_113 = arith.constant 192 : index
    %swap3A_114 = tpu.vector_load %arg6[%swap3A_113] {strides = array<i32>} : memref<6400xi32, #tpu.memory_space<vmem>>, vector<16xi32>,
    %swap3A_115 = vector.shape_cast %swap3A_114 : vector<16xi32> to vector<16xi32>
    %swap3A_116 = vector.shape_cast %add3A_112 : vector<16xi32> to vector<16xi32>
    tpu.vector_store %arg6[%swap3A_113], %swap3A_116 {strides = array<i32>} : memref<6400xi32, #tpu.memory_space<vmem>>, vector<16xi32>,
    %get3A_117 = arith.constant 208 : index
    %get3A_118 = tpu.vector_load %arg6[%get3A_117] {strides = array<i32>} : memref<6400xi32, #tpu.memory_space<vmem>>, vector<16xi32>,
    %get3A_119 = vector.shape_cast %get3A_118 : vector<16xi32> to vector<16xi32>
    %add3A_120 = arith.addi %get3A_119, %get3A_4 : vector<16xi32>
    %swap3A_121 = arith.constant 208 : index
    %swap3A_122 = tpu.vector_load %arg6[%swap3A_121] {strides = array<i32>} : memref<6400xi32, #tpu.memory_space<vmem>>, vector<16xi32>,
    %swap3A_123 = vector.shape_cast %swap3A_122 : vector<16xi32> to vector<16xi32>
    %swap3A_124 = vector.shape_cast %add3A_120 : vector<16xi32> to vector<16xi32>
    tpu.vector_store %arg6[%swap3A_121], %swap3A_124 {strides = array<i32>} : memref<6400xi32, #tpu.memory_space<vmem>>, vector<16xi32>,
    %get3A_125 = arith.constant 224 : index
    %get3A_126 = tpu.vector_load %arg6[%get3A_125] {strides = array<i32>} : memref<6400xi32, #tpu.memory_space<vmem>>, vector<16xi32>,
    %get3A_127 = vector.shape_cast %get3A_126 : vector<16xi32> to vector<16xi32>
    %add3A_128 = arith.addi %get3A_127, %get3A_4 : vector<16xi32>
    %swap3A_129 = arith.constant 224 : index
    %swap3A_130 = tpu.vector_load %arg6[%swap3A_129] {strides = array<i32>} : memref<6400xi32, #tpu.memory_space<vmem>>, vector<16xi32>,
    %swap3A_131 = vector.shape_cast %swap3A_130 : vector<16xi32> to vector<16xi32>
    %swap3A_132 = vector.shape_cast %add3A_128 : vector<16xi32> to vector<16xi32>
    tpu.vector_store %arg6[%swap3A_129], %swap3A_132 {strides = array<i32>} : memref<6400xi32, #tpu.memory_space<vmem>>, vector<16xi32>,
    %get3A_133 = arith.constant 240 : index
    %get3A_134 = tpu.vector_load %arg6[%get3A_133] {strides = array<i32>} : memref<6400xi32, #tpu.memory_space<vmem>>, vector<16xi32>,
    %get3A_135 = vector.shape_cast %get3A_134 : vector<16xi32> to vector<16xi32>
    %add3A_136 = arith.addi %get3A_135, %get3A_4 : vector<16xi32>
    %swap3A_137 = arith.constant 240 : index
    %swap3A_138 = tpu.vector_load %arg6[%swap3A_137] {strides = array<i32>} : memref<6400xi32, #tpu.memory_space<vmem>>, vector<16xi32>,
    %swap3A_139 = vector.shape_cast %swap3A_138 : vector<16xi32> to vector<16xi32>
    %swap3A_140 = vector.shape_cast %add3A_136 : vector<16xi32> to vector<16xi32>
    tpu.vector_store %arg6[%swap3A_137], %swap3A_140 {strides = array<i32>} : memref<6400xi32, #tpu.memory_space<vmem>>, vector<16xi32>,
    %dma_start3A_141 = arith.constant 1 : i32
    %dma_start3A_142 = arith.constant 0 : i32
    %dma_start3A_143 = arith.constant 0 : i32
    %dma_start3A_144 = tpu.memref_slice %arg8[%dma_start3A_141, %dma_start3A_142, %dma_start3A_143] : memref<5x128x128xf32, #tpu.memory_space<vmem>> -> memref<1x128x128xf32, #tpu.memory_space<vmem>>
    %dma_start3A_145 = tpu.memref_squeeze %dma_start3A_144 : memref<1x128x128xf32, #tpu.memory_space<vmem>> -> memref<128x128xf32, #tpu.memory_space<vmem>>
    %dma_start3A_146 = arith.constant 128 : i32
    %dma_start3A_147 = tpu.memref_slice %arg6[%dma_start3A_146] : memref<6400xi32, #tpu.memory_space<vmem>> -> memref<128xi32, #tpu.memory_space<vmem>>
    %dma_start3A_148 = arith.constant 0 : i32
    %dma_start3A_149 = arith.constant 0 : i32
    %dma_start3A_150 = tpu.memref_slice %arg3[%dma_start3A_148, %dma_start3A_149] : memref<400000x128xf32, #tpu.memory_space<hbm>> -> memref<400000x128xf32, #tpu.memory_space<hbm>>
    tpu.enqueue_indirect_dma source(%dma_start3A_150 : memref<400000x128xf32, #tpu.memory_space<hbm>>) target(%dma_start3A_145 : memref<128x128xf32, #tpu.memory_space<vmem>>) offsets(%dma_start3A_147 : memref<128xi32, #tpu.memory_space<vmem>>) semaphore(%arg9 : memref<!tpu.dma_semaphore, #tpu.memory_space<semaphore_mem>>)
    %get3A_151 = arith.constant 256 : index
    %get3A_152 = tpu.vector_load %arg6[%get3A_151] {strides = array<i32>} : memref<6400xi32, #tpu.memory_space<vmem>>, vector<16xi32>,
    %get3A_153 = vector.shape_cast %get3A_152 : vector<16xi32> to vector<16xi32>
    %add3A_154 = arith.addi %get3A_153, %get3A_4 : vector<16xi32>
    %swap3A_155 = arith.constant 256 : index
    %swap3A_156 = tpu.vector_load %arg6[%swap3A_155] {strides = array<i32>} : memref<6400xi32, #tpu.memory_space<vmem>>, vector<16xi32>,
    %swap3A_157 = vector.shape_cast %swap3A_156 : vector<16xi32> to vector<16xi32>
    %swap3A_158 = vector.shape_cast %add3A_154 : vector<16xi32> to vector<16xi32>
    tpu.vector_store %arg6[%swap3A_155], %swap3A_158 {strides = array<i32>} : memref<6400xi32, #tpu.memory_space<vmem>>, vector<16xi32>,
    %get3A_159 = arith.constant 272 : index
    %get3A_160 = tpu.vector_load %arg6[%get3A_159] {strides = array<i32>} : memref<6400xi32, #tpu.memory_space<vmem>>, vector<16xi32>,
    %get3A_161 = vector.shape_cast %get3A_160 : vector<16xi32> to vector<16xi32>
    %add3A_162 = arith.addi %get3A_161, %get3A_4 : vector<16xi32>
    %swap3A_163 = arith.constant 272 : index
    %swap3A_164 = tpu.vector_load %arg6[%swap3A_163] {strides = array<i32>} : memref<6400xi32, #tpu.memory_space<vmem>>, vector<16xi32>,
    %swap3A_165 = vector.shape_cast %swap3A_164 : vector<16xi32> to vector<16xi32>
    %swap3A_166 = vector.shape_cast %add3A_162 : vector<16xi32> to vector<16xi32>
    tpu.vector_store %arg6[%swap3A_163], %swap3A_166 {strides = array<i32>} : memref<6400xi32, #tpu.memory_space<vmem>>, vector<16xi32>,
    %get3A_167 = arith.constant 288 : index
    %get3A_168 = tpu.vector_load %arg6[%get3A_167] {strides = array<i32>} : memref<6400xi32, #tpu.memory_space<vmem>>, vector<16xi32>,
    %get3A_169 = vector.shape_cast %get3A_168 : vector<16xi32> to vector<16xi32>
    %add3A_170 = arith.addi %get3A_169, %get3A_4 : vector<16xi32>
    %swap3A_171 = arith.constant 288 : index
    %swap3A_172 = tpu.vector_load %arg6[%swap3A_171] {strides = array<i32>} : memref<6400xi32, #tpu.memory_space<vmem>>, vector<16xi32>,
    %swap3A_173 = vector.shape_cast %swap3A_172 : vector<16xi32> to vector<16xi32>
    %swap3A_174 = vector.shape_cast %add3A_170 : vector<16xi32> to vector<16xi32>
    tpu.vector_store %arg6[%swap3A_171], %swap3A_174 {strides = array<i32>} : memref<6400xi32, #tpu.memory_space<vmem>>, vector<16xi32>,
    %get3A_175 = arith.constant 304 : index
    %get3A_176 = tpu.vector_load %arg6[%get3A_175] {strides = array<i32>} : memref<6400xi32, #tpu.memory_space<vmem>>, vector<16xi32>,
    %get3A_177 = vector.shape_cast %get3A_176 : vector<16xi32> to vector<16xi32>
    %add3A_178 = arith.addi %get3A_177, %get3A_4 : vector<16xi32>
    %swap3A_179 = arith.constant 304 : index
    %swap3A_180 = tpu.vector_load %arg6[%swap3A_179] {strides = array<i32>} : memref<6400xi32, #tpu.memory_space<vmem>>, vector<16xi32>,
    %swap3A_181 = vector.shape_cast %swap3A_180 : vector<16xi32> to vector<16xi32>
    %swap3A_182 = vector.shape_cast %add3A_178 : vector<16xi32> to vector<16xi32>
    tpu.vector_store %arg6[%swap3A_179], %swap3A_182 {strides = array<i32>} : memref<6400xi32, #tpu.memory_space<vmem>>, vector<16xi32>,
    %get3A_183 = arith.constant 320 : index
    %get3A_184 = tpu.vector_load %arg6[%get3A_183] {strides = array<i32>} : memref<6400xi32, #tpu.memory_space<vmem>>, vector<16xi32>,
    %get3A_185 = vector.shape_cast %get3A_184 : vector<16xi32> to vector<16xi32>
    %add3A_186 = arith.addi %get3A_185, %get3A_4 : vector<16xi32>
    %swap3A_187 = arith.constant 320 : index
    %swap3A_188 = tpu.vector_load %arg6[%swap3A_187] {strides = array<i32>} : memref<6400xi32, #tpu.memory_space<vmem>>, vector<16xi32>,
    %swap3A_189 = vector.shape_cast %swap3A_188 : vector<16xi32> to vector<16xi32>
    %swap3A_190 = vector.shape_cast %add3A_186 : vector<16xi32> to vector<16xi32>
    tpu.vector_store %arg6[%swap3A_187], %swap3A_190 {strides = array<i32>} : memref<6400xi32, #tpu.memory_space<vmem>>, vector<16xi32>,
    %get3A_191 = arith.constant 336 : index
    %get3A_192 = tpu.vector_load %arg6[%get3A_191] {strides = array<i32>} : memref<6400xi32, #tpu.memory_space<vmem>>, vector<16xi32>,
    %get3A_193 = vector.shape_cast %get3A_192 : vector<16xi32> to vector<16xi32>
    %add3A_194 = arith.addi %get3A_193, %get3A_4 : vector<16xi32>
    %swap3A_195 = arith.constant 336 : index
    %swap3A_196 = tpu.vector_load %arg6[%swap3A_195] {strides = array<i32>} : memref<6400xi32, #tpu.memory_space<vmem>>, vector<16xi32>,
    %swap3A_197 = vector.shape_cast %swap3A_196 : vector<16xi32> to vector<16xi32>
    %swap3A_198 = vector.shape_cast %add3A_194 : vector<16xi32> to vector<16xi32>
    tpu.vector_store %arg6[%swap3A_195], %swap3A_198 {strides = array<i32>} : memref<6400xi32, #tpu.memory_space<vmem>>, vector<16xi32>,
    %get3A_199 = arith.constant 352 : index
    %get3A_200 = tpu.vector_load %arg6[%get3A_199] {strides = array<i32>} : memref<6400xi32, #tpu.memory_space<vmem>>, vector<16xi32>,
    %get3A_201 = vector.shape_cast %get3A_200 : vector<16xi32> to vector<16xi32>
    %add3A_202 = arith.addi %get3A_201, %get3A_4 : vector<16xi32>
    %swap3A_203 = arith.constant 352 : index
    %swap3A_204 = tpu.vector_load %arg6[%swap3A_203] {strides = array<i32>} : memref<6400xi32, #tpu.memory_space<vmem>>, vector<16xi32>,
    %swap3A_205 = vector.shape_cast %swap3A_204 : vector<16xi32> to vector<16xi32>
    %swap3A_206 = vector.shape_cast %add3A_202 : vector<16xi32> to vector<16xi32>
    tpu.vector_store %arg6[%swap3A_203], %swap3A_206 {strides = array<i32>} : memref<6400xi32, #tpu.memory_space<vmem>>, vector<16xi32>,
    %get3A_207 = arith.constant 368 : index
    %get3A_208 = tpu.vector_load %arg6[%get3A_207] {strides = array<i32>} : memref<6400xi32, #tpu.memory_space<vmem>>, vector<16xi32>,
    %get3A_209 = vector.shape_cast %get3A_208 : vector<16xi32> to vector<16xi32>
    %add3A_210 = arith.addi %get3A_209, %get3A_4 : vector<16xi32>
    %swap3A_211 = arith.constant 368 : index
    %swap3A_212 = tpu.vector_load %arg6[%swap3A_211] {strides = array<i32>} : memref<6400xi32, #tpu.memory_space<vmem>>, vector<16xi32>,
    %swap3A_213 = vector.shape_cast %swap3A_212 : vector<16xi32> to vector<16xi32>
    %swap3A_214 = vector.shape_cast %add3A_210 : vector<16xi32> to vector<16xi32>
    tpu.vector_store %arg6[%swap3A_211], %swap3A_214 {strides = array<i32>} : memref<6400xi32, #tpu.memory_space<vmem>>, vector<16xi32>,
    %dma_start3A_215 = arith.constant 2 : i32
    %dma_start3A_216 = arith.constant 0 : i32
    %dma_start3A_217 = arith.constant 0 : i32
    %dma_start3A_218 = tpu.memref_slice %arg8[%dma_start3A_215, %dma_start3A_216, %dma_start3A_217] : memref<5x128x128xf32, #tpu.memory_space<vmem>> -> memref<1x128x128xf32, #tpu.memory_space<vmem>>
    %dma_start3A_219 = tpu.memref_squeeze %dma_start3A_218 : memref<1x128x128xf32, #tpu.memory_space<vmem>> -> memref<128x128xf32, #tpu.memory_space<vmem>>
    %dma_start3A_220 = arith.constant 256 : i32
    %dma_start3A_221 = tpu.memref_slice %arg6[%dma_start3A_220] : memref<6400xi32, #tpu.memory_space<vmem>> -> memref<128xi32, #tpu.memory_space<vmem>>
    %dma_start3A_222 = arith.constant 0 : i32
    %dma_start3A_223 = arith.constant 0 : i32
    %dma_start3A_224 = tpu.memref_slice %arg3[%dma_start3A_222, %dma_start3A_223] : memref<400000x128xf32, #tpu.memory_space<hbm>> -> memref<400000x128xf32, #tpu.memory_space<hbm>>
    tpu.enqueue_indirect_dma source(%dma_start3A_224 : memref<400000x128xf32, #tpu.memory_space<hbm>>) target(%dma_start3A_219 : memref<128x128xf32, #tpu.memory_space<vmem>>) offsets(%dma_start3A_221 : memref<128xi32, #tpu.memory_space<vmem>>) semaphore(%arg9 : memref<!tpu.dma_semaphore, #tpu.memory_space<semaphore_mem>>)
    %get3A_225 = arith.constant 384 : index
    %get3A_226 = tpu.vector_load %arg6[%get3A_225] {strides = array<i32>} : memref<6400xi32, #tpu.memory_space<vmem>>, vector<16xi32>,
    %get3A_227 = vector.shape_cast %get3A_226 : vector<16xi32> to vector<16xi32>
    %add3A_228 = arith.addi %get3A_227, %get3A_4 : vector<16xi32>
    %swap3A_229 = arith.constant 384 : index
    %swap3A_230 = tpu.vector_load %arg6[%swap3A_229] {strides = array<i32>} : memref<6400xi32, #tpu.memory_space<vmem>>, vector<16xi32>,
    %swap3A_231 = vector.shape_cast %swap3A_230 : vector<16xi32> to vector<16xi32>
    %swap3A_232 = vector.shape_cast %add3A_228 : vector<16xi32> to vector<16xi32>
    tpu.vector_store %arg6[%swap3A_229], %swap3A_232 {strides = array<i32>} : memref<6400xi32, #tpu.memory_space<vmem>>, vector<16xi32>,
    %get3A_233 = arith.constant 400 : index
    %get3A_234 = tpu.vector_load %arg6[%get3A_233] {strides = array<i32>} : memref<6400xi32, #tpu.memory_space<vmem>>, vector<16xi32>,
    %get3A_235 = vector.shape_cast %get3A_234 : vector<16xi32> to vector<16xi32>
    %add3A_236 = arith.addi %get3A_235, %get3A_4 : vector<16xi32>
    %swap3A_237 = arith.constant 400 : index
    %swap3A_238 = tpu.vector_load %arg6[%swap3A_237] {strides = array<i32>} : memref<6400xi32, #tpu.memory_space<vmem>>, vector<16xi32>,
    %swap3A_239 = vector.shape_cast %swap3A_238 : vector<16xi32> to vector<16xi32>
    %swap3A_240 = vector.shape_cast %add3A_236 : vector<16xi32> to vector<16xi32>
    tpu.vector_store %arg6[%swap3A_237], %swap3A_240 {strides = array<i32>} : memref<6400xi32, #tpu.memory_space<vmem>>, vector<16xi32>,
    %get3A_241 = arith.constant 416 : index
    %get3A_242 = tpu.vector_load %arg6[%get3A_241] {strides = array<i32>} : memref<6400xi32, #tpu.memory_space<vmem>>, vector<16xi32>,
    %get3A_243 = vector.shape_cast %get3A_242 : vector<16xi32> to vector<16xi32>
    %add3A_244 = arith.addi %get3A_243, %get3A_4 : vector<16xi32>
    %swap3A_245 = arith.constant 416 : index
    %swap3A_246 = tpu.vector_load %arg6[%swap3A_245] {strides = array<i32>} : memref<6400xi32, #tpu.memory_space<vmem>>, vector<16xi32>,
    %swap3A_247 = vector.shape_cast %swap3A_246 : vector<16xi32> to vector<16xi32>
    %swap3A_248 = vector.shape_cast %add3A_244 : vector<16xi32> to vector<16xi32>
    tpu.vector_store %arg6[%swap3A_245], %swap3A_248 {strides = array<i32>} : memref<6400xi32, #tpu.memory_space<vmem>>, vector<16xi32>,
    %get3A_249 = arith.constant 432 : index
    %get3A_250 = tpu.vector_load %arg6[%get3A_249] {strides = array<i32>} : memref<6400xi32, #tpu.memory_space<vmem>>, vector<16xi32>,
    %get3A_251 = vector.shape_cast %get3A_250 : vector<16xi32> to vector<16xi32>
    %add3A_252 = arith.addi %get3A_251, %get3A_4 : vector<16xi32>
    %swap3A_253 = arith.constant 432 : index
    %swap3A_254 = tpu.vector_load %arg6[%swap3A_253] {strides = array<i32>} : memref<6400xi32, #tpu.memory_space<vmem>>, vector<16xi32>,
    %swap3A_255 = vector.shape_cast %swap3A_254 : vector<16xi32> to vector<16xi32>
    %swap3A_256 = vector.shape_cast %add3A_252 : vector<16xi32> to vector<16xi32>
    tpu.vector_store %arg6[%swap3A_253], %swap3A_256 {strides = array<i32>} : memref<6400xi32, #tpu.memory_space<vmem>>, vector<16xi32>,
    %get3A_257 = arith.constant 448 : index
    %get3A_258 = tpu.vector_load %arg6[%get3A_257] {strides = array<i32>} : memref<6400xi32, #tpu.memory_space<vmem>>, vector<16xi32>,
    %get3A_259 = vector.shape_cast %get3A_258 : vector<16xi32> to vector<16xi32>
    %add3A_260 = arith.addi %get3A_259, %get3A_4 : vector<16xi32>
    %swap3A_261 = arith.constant 448 : index
    %swap3A_262 = tpu.vector_load %arg6[%swap3A_261] {strides = array<i32>} : memref<6400xi32, #tpu.memory_space<vmem>>, vector<16xi32>,
    %swap3A_263 = vector.shape_cast %swap3A_262 : vector<16xi32> to vector<16xi32>
    %swap3A_264 = vector.shape_cast %add3A_260 : vector<16xi32> to vector<16xi32>
    tpu.vector_store %arg6[%swap3A_261], %swap3A_264 {strides = array<i32>} : memref<6400xi32, #tpu.memory_space<vmem>>, vector<16xi32>,
    %get3A_265 = arith.constant 464 : index
    %get3A_266 = tpu.vector_load %arg6[%get3A_265] {strides = array<i32>} : memref<6400xi32, #tpu.memory_space<vmem>>, vector<16xi32>,
    %get3A_267 = vector.shape_cast %get3A_266 : vector<16xi32> to vector<16xi32>
    %add3A_268 = arith.addi %get3A_267, %get3A_4 : vector<16xi32>
    %swap3A_269 = arith.constant 464 : index
    %swap3A_270 = tpu.vector_load %arg6[%swap3A_269] {strides = array<i32>} : memref<6400xi32, #tpu.memory_space<vmem>>, vector<16xi32>,
    %swap3A_271 = vector.shape_cast %swap3A_270 : vector<16xi32> to vector<16xi32>
    %swap3A_272 = vector.shape_cast %add3A_268 : vector<16xi32> to vector<16xi32>
    tpu.vector_store %arg6[%swap3A_269], %swap3A_272 {strides = array<i32>} : memref<6400xi32, #tpu.memory_space<vmem>>, vector<16xi32>,
    %get3A_273 = arith.constant 480 : index
    %get3A_274 = tpu.vector_load %arg6[%get3A_273] {strides = array<i32>} : memref<6400xi32, #tpu.memory_space<vmem>>, vector<16xi32>,
    %get3A_275 = vector.shape_cast %get3A_274 : vector<16xi32> to vector<16xi32>
    %add3A_276 = arith.addi %get3A_275, %get3A_4 : vector<16xi32>
    %swap3A_277 = arith.constant 480 : index
    %swap3A_278 = tpu.vector_load %arg6[%swap3A_277] {strides = array<i32>} : memref<6400xi32, #tpu.memory_space<vmem>>, vector<16xi32>,
    %swap3A_279 = vector.shape_cast %swap3A_278 : vector<16xi32> to vector<16xi32>
    %swap3A_280 = vector.shape_cast %add3A_276 : vector<16xi32> to vector<16xi32>
    tpu.vector_store %arg6[%swap3A_277], %swap3A_280 {strides = array<i32>} : memref<6400xi32, #tpu.memory_space<vmem>>, vector<16xi32>,
    %get3A_281 = arith.constant 496 : index
    %get3A_282 = tpu.vector_load %arg6[%get3A_281] {strides = array<i32>} : memref<6400xi32, #tpu.memory_space<vmem>>, vector<16xi32>,
    %get3A_283 = vector.shape_cast %get3A_282 : vector<16xi32> to vector<16xi32>
    %add3A_284 = arith.addi %get3A_283, %get3A_4 : vector<16xi32>
    %swap3A_285 = arith.constant 496 : index
    %swap3A_286 = tpu.vector_load %arg6[%swap3A_285] {strides = array<i32>} : memref<6400xi32, #tpu.memory_space<vmem>>, vector<16xi32>,
    %swap3A_287 = vector.shape_cast %swap3A_286 : vector<16xi32> to vector<16xi32>
    %swap3A_288 = vector.shape_cast %add3A_284 : vector<16xi32> to vector<16xi32>
    tpu.vector_store %arg6[%swap3A_285], %swap3A_288 {strides = array<i32>} : memref<6400xi32, #tpu.memory_space<vmem>>, vector<16xi32>,
    %dma_start3A_289 = arith.constant 3 : i32
    %dma_start3A_290 = arith.constant 0 : i32
    %dma_start3A_291 = arith.constant 0 : i32
    %dma_start3A_292 = tpu.memref_slice %arg8[%dma_start3A_289, %dma_start3A_290, %dma_start3A_291] : memref<5x128x128xf32, #tpu.memory_space<vmem>> -> memref<1x128x128xf32, #tpu.memory_space<vmem>>
    %dma_start3A_293 = tpu.memref_squeeze %dma_start3A_292 : memref<1x128x128xf32, #tpu.memory_space<vmem>> -> memref<128x128xf32, #tpu.memory_space<vmem>>
    %dma_start3A_294 = arith.constant 384 : i32
    %dma_start3A_295 = tpu.memref_slice %arg6[%dma_start3A_294] : memref<6400xi32, #tpu.memory_space<vmem>> -> memref<128xi32, #tpu.memory_space<vmem>>
    %dma_start3A_296 = arith.constant 0 : i32
    %dma_start3A_297 = arith.constant 0 : i32
    %dma_start3A_298 = tpu.memref_slice %arg3[%dma_start3A_296, %dma_start3A_297] : memref<400000x128xf32, #tpu.memory_space<hbm>> -> memref<400000x128xf32, #tpu.memory_space<hbm>>
    tpu.enqueue_indirect_dma source(%dma_start3A_298 : memref<400000x128xf32, #tpu.memory_space<hbm>>) target(%dma_start3A_293 : memref<128x128xf32, #tpu.memory_space<vmem>>) offsets(%dma_start3A_295 : memref<128xi32, #tpu.memory_space<vmem>>) semaphore(%arg9 : memref<!tpu.dma_semaphore, #tpu.memory_space<semaphore_mem>>)
    %get3A_299 = arith.constant 512 : index
    %get3A_300 = tpu.vector_load %arg6[%get3A_299] {strides = array<i32>} : memref<6400xi32, #tpu.memory_space<vmem>>, vector<16xi32>,
    %get3A_301 = vector.shape_cast %get3A_300 : vector<16xi32> to vector<16xi32>
    %add3A_302 = arith.addi %get3A_301, %get3A_4 : vector<16xi32>
    %swap3A_303 = arith.constant 512 : index
    %swap3A_304 = tpu.vector_load %arg6[%swap3A_303] {strides = array<i32>} : memref<6400xi32, #tpu.memory_space<vmem>>, vector<16xi32>,
    %swap3A_305 = vector.shape_cast %swap3A_304 : vector<16xi32> to vector<16xi32>
    %swap3A_306 = vector.shape_cast %add3A_302 : vector<16xi32> to vector<16xi32>
    tpu.vector_store %arg6[%swap3A_303], %swap3A_306 {strides = array<i32>} : memref<6400xi32, #tpu.memory_space<vmem>>, vector<16xi32>,
    %get3A_307 = arith.constant 528 : index
    %get3A_308 = tpu.vector_load %arg6[%get3A_307] {strides = array<i32>} : memref<6400xi32, #tpu.memory_space<vmem>>, vector<16xi32>,
    %get3A_309 = vector.shape_cast %get3A_308 : vector<16xi32> to vector<16xi32>
    %add3A_310 = arith.addi %get3A_309, %get3A_4 : vector<16xi32>
    %swap3A_311 = arith.constant 528 : index
    %swap3A_312 = tpu.vector_load %arg6[%swap3A_311] {strides = array<i32>} : memref<6400xi32, #tpu.memory_space<vmem>>, vector<16xi32>,
    %swap3A_313 = vector.shape_cast %swap3A_312 : vector<16xi32> to vector<16xi32>
    %swap3A_314 = vector.shape_cast %add3A_310 : vector<16xi32> to vector<16xi32>
    tpu.vector_store %arg6[%swap3A_311], %swap3A_314 {strides = array<i32>} : memref<6400xi32, #tpu.memory_space<vmem>>, vector<16xi32>,
    %get3A_315 = arith.constant 544 : index
    %get3A_316 = tpu.vector_load %arg6[%get3A_315] {strides = array<i32>} : memref<6400xi32, #tpu.memory_space<vmem>>, vector<16xi32>,
    %get3A_317 = vector.shape_cast %get3A_316 : vector<16xi32> to vector<16xi32>
    %add3A_318 = arith.addi %get3A_317, %get3A_4 : vector<16xi32>
    %swap3A_319 = arith.constant 544 : index
    %swap3A_320 = tpu.vector_load %arg6[%swap3A_319] {strides = array<i32>} : memref<6400xi32, #tpu.memory_space<vmem>>, vector<16xi32>,
    %swap3A_321 = vector.shape_cast %swap3A_320 : vector<16xi32> to vector<16xi32>
    %swap3A_322 = vector.shape_cast %add3A_318 : vector<16xi32> to vector<16xi32>
    tpu.vector_store %arg6[%swap3A_319], %swap3A_322 {strides = array<i32>} : memref<6400xi32, #tpu.memory_space<vmem>>, vector<16xi32>,
    %get3A_323 = arith.constant 560 : index
    %get3A_324 = tpu.vector_load %arg6[%get3A_323] {strides = array<i32>} : memref<6400xi32, #tpu.memory_space<vmem>>, vector<16xi32>,
    %get3A_325 = vector.shape_cast %get3A_324 : vector<16xi32> to vector<16xi32>
    %add3A_326 = arith.addi %get3A_325, %get3A_4 : vector<16xi32>
    %swap3A_327 = arith.constant 560 : index
    %swap3A_328 = tpu.vector_load %arg6[%swap3A_327] {strides = array<i32>} : memref<6400xi32, #tpu.memory_space<vmem>>, vector<16xi32>,
    %swap3A_329 = vector.shape_cast %swap3A_328 : vector<16xi32> to vector<16xi32>
    %swap3A_330 = vector.shape_cast %add3A_326 : vector<16xi32> to vector<16xi32>
    tpu.vector_store %arg6[%swap3A_327], %swap3A_330 {strides = array<i32>} : memref<6400xi32, #tpu.memory_space<vmem>>, vector<16xi32>,
    %get3A_331 = arith.constant 576 : index
    %get3A_332 = tpu.vector_load %arg6[%get3A_331] {strides = array<i32>} : memref<6400xi32, #tpu.memory_space<vmem>>, vector<16xi32>,
    %get3A_333 = vector.shape_cast %get3A_332 : vector<16xi32> to vector<16xi32>
    %add3A_334 = arith.addi %get3A_333, %get3A_4 : vector<16xi32>
    %swap3A_335 = arith.constant 576 : index
    %swap3A_336 = tpu.vector_load %arg6[%swap3A_335] {strides = array<i32>} : memref<6400xi32, #tpu.memory_space<vmem>>, vector<16xi32>,
    %swap3A_337 = vector.shape_cast %swap3A_336 : vector<16xi32> to vector<16xi32>
    %swap3A_338 = vector.shape_cast %add3A_334 : vector<16xi32> to vector<16xi32>
    tpu.vector_store %arg6[%swap3A_335], %swap3A_338 {strides = array<i32>} : memref<6400xi32, #tpu.memory_space<vmem>>, vector<16xi32>,
    %get3A_339 = arith.constant 592 : index
    %get3A_340 = tpu.vector_load %arg6[%get3A_339] {strides = array<i32>} : memref<6400xi32, #tpu.memory_space<vmem>>, vector<16xi32>,
    %get3A_341 = vector.shape_cast %get3A_340 : vector<16xi32> to vector<16xi32>
    %add3A_342 = arith.addi %get3A_341, %get3A_4 : vector<16xi32>
    %swap3A_343 = arith.constant 592 : index
    %swap3A_344 = tpu.vector_load %arg6[%swap3A_343] {strides = array<i32>} : memref<6400xi32, #tpu.memory_space<vmem>>, vector<16xi32>,
    %swap3A_345 = vector.shape_cast %swap3A_344 : vector<16xi32> to vector<16xi32>
    %swap3A_346 = vector.shape_cast %add3A_342 : vector<16xi32> to vector<16xi32>
    tpu.vector_store %arg6[%swap3A_343], %swap3A_346 {strides = array<i32>} : memref<6400xi32, #tpu.memory_space<vmem>>, vector<16xi32>,
    %get3A_347 = arith.constant 608 : index
    %get3A_348 = tpu.vector_load %arg6[%get3A_347] {strides = array<i32>} : memref<6400xi32, #tpu.memory_space<vmem>>, vector<16xi32>,
    %get3A_349 = vector.shape_cast %get3A_348 : vector<16xi32> to vector<16xi32>
    %add3A_350 = arith.addi %get3A_349, %get3A_4 : vector<16xi32>
    %swap3A_351 = arith.constant 608 : index
    %swap3A_352 = tpu.vector_load %arg6[%swap3A_351] {strides = array<i32>} : memref<6400xi32, #tpu.memory_space<vmem>>, vector<16xi32>,
    %swap3A_353 = vector.shape_cast %swap3A_352 : vector<16xi32> to vector<16xi32>
    %swap3A_354 = vector.shape_cast %add3A_350 : vector<16xi32> to vector<16xi32>
    tpu.vector_store %arg6[%swap3A_351], %swap3A_354 {strides = array<i32>} : memref<6400xi32, #tpu.memory_space<vmem>>, vector<16xi32>,
    %get3A_355 = arith.constant 624 : index
    %get3A_356 = tpu.vector_load %arg6[%get3A_355] {strides = array<i32>} : memref<6400xi32, #tpu.memory_space<vmem>>, vector<16xi32>,
    %get3A_357 = vector.shape_cast %get3A_356 : vector<16xi32> to vector<16xi32>
    %add3A_358 = arith.addi %get3A_357, %get3A_4 : vector<16xi32>
    %swap3A_359 = arith.constant 624 : index
    %swap3A_360 = tpu.vector_load %arg6[%swap3A_359] {strides = array<i32>} : memref<6400xi32, #tpu.memory_space<vmem>>, vector<16xi32>,
    %swap3A_361 = vector.shape_cast %swap3A_360 : vector<16xi32> to vector<16xi32>
    %swap3A_362 = vector.shape_cast %add3A_358 : vector<16xi32> to vector<16xi32>
    tpu.vector_store %arg6[%swap3A_359], %swap3A_362 {strides = array<i32>} : memref<6400xi32, #tpu.memory_space<vmem>>, vector<16xi32>,
    %dma_start3A_363 = arith.constant 4 : i32
    %dma_start3A_364 = arith.constant 0 : i32
    %dma_start3A_365 = arith.constant 0 : i32
    %dma_start3A_366 = tpu.memref_slice %arg8[%dma_start3A_363, %dma_start3A_364, %dma_start3A_365] : memref<5x128x128xf32, #tpu.memory_space<vmem>> -> memref<1x128x128xf32, #tpu.memory_space<vmem>>
    %dma_start3A_367 = tpu.memref_squeeze %dma_start3A_366 : memref<1x128x128xf32, #tpu.memory_space<vmem>> -> memref<128x128xf32, #tpu.memory_space<vmem>>
    %dma_start3A_368 = arith.constant 512 : i32
    %dma_start3A_369 = tpu.memref_slice %arg6[%dma_start3A_368] : memref<6400xi32, #tpu.memory_space<vmem>> -> memref<128xi32, #tpu.memory_space<vmem>>
    %dma_start3A_370 = arith.constant 0 : i32
    %dma_start3A_371 = arith.constant 0 : i32
    %dma_start3A_372 = tpu.memref_slice %arg3[%dma_start3A_370, %dma_start3A_371] : memref<400000x128xf32, #tpu.memory_space<hbm>> -> memref<400000x128xf32, #tpu.memory_space<hbm>>
    tpu.enqueue_indirect_dma source(%dma_start3A_372 : memref<400000x128xf32, #tpu.memory_space<hbm>>) target(%dma_start3A_367 : memref<128x128xf32, #tpu.memory_space<vmem>>) offsets(%dma_start3A_369 : memref<128xi32, #tpu.memory_space<vmem>>) semaphore(%arg9 : memref<!tpu.dma_semaphore, #tpu.memory_space<semaphore_mem>>)
    %scan3A = arith.constant 0 : i32
    %scan3A_373 = arith.constant 0 : i32
    %scan3A_374 = arith.constant 10 : i32
    %scan3A_375 = arith.addi %scan3A_373, %scan3A_374 : i32
    %scan3A_376 = arith.constant 1 : i32
    scf.for %scan3A_442 = %scan3A_373 to %scan3A_375 step %scan3A_376  : i32 {
      %mul3A_443 = arith.constant 5 : i32
      %mul3A_444 = arith.muli %scan3A_442, %mul3A_443 : i32
      %add3A_445 = arith.constant 0 : i32
      %add3A_446 = arith.addi %mul3A_444, %add3A_445 : i32
      %dma_wait3A_447 = arith.constant 0 : i32
      %dma_wait3A_448 = arith.constant 0 : i32
      %dma_wait3A_449 = arith.constant 0 : i32
      %dma_wait3A_450 = tpu.memref_slice %arg8[%dma_wait3A_447, %dma_wait3A_448, %dma_wait3A_449] : memref<5x128x128xf32, #tpu.memory_space<vmem>> -> memref<1x128x128xf32, #tpu.memory_space<vmem>>
      %dma_wait3A_451 = tpu.memref_squeeze %dma_wait3A_450 : memref<1x128x128xf32, #tpu.memory_space<vmem>> -> memref<128x128xf32, #tpu.memory_space<vmem>>
      %dma_wait3A_452 = arith.constant 0 : i32
      %dma_wait3A_453 = tpu.memref_slice %arg6[%dma_wait3A_452] : memref<6400xi32, #tpu.memory_space<vmem>> -> memref<128xi32, #tpu.memory_space<vmem>>
      %dma_wait3A_454 = arith.constant 0 : i32
      %dma_wait3A_455 = arith.constant 0 : i32
      %dma_wait3A_456 = tpu.memref_slice %arg3[%dma_wait3A_454, %dma_wait3A_455] : memref<400000x128xf32, #tpu.memory_space<hbm>> -> memref<400000x128xf32, #tpu.memory_space<hbm>>
      tpu.wait_indirect_dma semaphore(%arg9 : memref<!tpu.dma_semaphore, #tpu.memory_space<semaphore_mem>>) src(%dma_wait3A_456 : memref<400000x128xf32, #tpu.memory_space<hbm>>) dst(%dma_wait3A_451 : memref<128x128xf32, #tpu.memory_space<vmem>>)
      %mul3A_457 = arith.constant 128 : i32
      %mul3A_458 = arith.muli %add3A_446, %mul3A_457 : i32
      %add3A_459 = arith.addi %mul3A_2, %mul3A_458 : i32
      %dma_start3A_460 = arith.constant 0 : i32
      %dma_start3A_461 = arith.constant 0 : i32
      %dma_start3A_462 = arith.constant 0 : i32
      %dma_start3A_463 = tpu.memref_slice %arg8[%dma_start3A_460, %dma_start3A_461, %dma_start3A_462] : memref<5x128x128xf32, #tpu.memory_space<vmem>> -> memref<1x128x64xf32, #tpu.memory_space<vmem>>
      %dma_start3A_464 = tpu.memref_squeeze %dma_start3A_463 : memref<1x128x64xf32, #tpu.memory_space<vmem>> -> memref<128x64xf32, #tpu.memory_space<vmem>>
      %dma_start3A_465 = arith.constant 0 : i32
      %dma_start3A_466 = tpu.memref_slice %arg5[%add3A_459, %dma_start3A_465] : memref<204800x128xf32, #tpu.memory_space<hbm>> -> memref<128x64xf32, #tpu.memory_space<hbm>>
      %dma_start3A_467 = arith.constant 0 : i32
      %dma_start3A_468 = tpu.memref_slice %arg5[%add3A_459, %dma_start3A_467] : memref<204800x128xf32, #tpu.memory_space<hbm>> -> memref<128x64xf32, #tpu.memory_space<hbm>>
      %dma_start3A_469 = arith.constant 0 : i32
      %dma_start3A_470 = arith.constant 0 : i32
      %dma_start3A_471 = tpu.memref_slice %arg8[%dma_start3A_460, %dma_start3A_469, %dma_start3A_470] : memref<5x128x128xf32, #tpu.memory_space<vmem>> -> memref<1x128x64xf32, #tpu.memory_space<vmem>>
      %dma_start3A_472 = tpu.memref_squeeze %dma_start3A_471 : memref<1x128x64xf32, #tpu.memory_space<vmem>> -> memref<128x64xf32, #tpu.memory_space<vmem>>
      tpu.enqueue_dma source(%dma_start3A_472 : memref<128x64xf32, #tpu.memory_space<vmem>>) target(%dma_start3A_468 : memref<128x64xf32, #tpu.memory_space<hbm>>) target_semaphore(%arg10 : memref<!tpu.dma_semaphore, #tpu.memory_space<semaphore_mem>>)
      %add3A_473 = arith.constant 5 : i32
      %add3A_474 = arith.addi %add3A_446, %add3A_473 : i32
      %lt3A = arith.constant 50 : i32
      %lt3A_475 = arith.cmpi slt, %add3A_474, %lt3A : i32
      %convert_element_type3A = arith.extui %lt3A_475 : i1 to i32
      %cond3A = arith.constant 0 : i32
      %cond3A_476 = arith.cmpi ne, %convert_element_type3A, %cond3A : i32
      scf.if %cond3A_476 {
        %add3A_625 = arith.constant 5 : i32
        %add3A_626 = arith.addi %add3A_446, %add3A_625 : i32
        %mul3A_627 = arith.constant 128 : i32
        %mul3A_628 = arith.muli %add3A_626, %mul3A_627 : i32
        %add3A_629 = arith.constant 0 : i32
        %add3A_630 = arith.addi %mul3A_628, %add3A_629 : i32
        %get3A_631 = arith.index_cast %add3A_630 : i32 to index
        %get3A_632 = tpu.vector_load %arg6[%get3A_631] {strides = array<i32>} : memref<6400xi32, #tpu.memory_space<vmem>>, vector<16xi32>,
        %get3A_633 = vector.shape_cast %get3A_632 : vector<16xi32> to vector<16xi32>
        %add3A_634 = arith.addi %get3A_633, %get3A_4 : vector<16xi32>
        %swap3A_635 = arith.index_cast %add3A_630 : i32 to index
        %swap3A_636 = tpu.vector_load %arg6[%swap3A_635] {strides = array<i32>} : memref<6400xi32, #tpu.memory_space<vmem>>, vector<16xi32>,
        %swap3A_637 = vector.shape_cast %swap3A_636 : vector<16xi32> to vector<16xi32>
        %swap3A_638 = vector.shape_cast %add3A_634 : vector<16xi32> to vector<16xi32>
        tpu.vector_store %arg6[%swap3A_635], %swap3A_638 {strides = array<i32>} : memref<6400xi32, #tpu.memory_space<vmem>>, vector<16xi32>,
        %mul3A_639 = arith.constant 128 : i32
        %mul3A_640 = arith.muli %add3A_626, %mul3A_639 : i32
        %add3A_641 = arith.constant 16 : i32
        %add3A_642 = arith.addi %mul3A_640, %add3A_641 : i32
        %get3A_643 = arith.index_cast %add3A_642 : i32 to index
        %get3A_644 = tpu.vector_load %arg6[%get3A_643] {strides = array<i32>} : memref<6400xi32, #tpu.memory_space<vmem>>, vector<16xi32>,
        %get3A_645 = vector.shape_cast %get3A_644 : vector<16xi32> to vector<16xi32>
        %add3A_646 = arith.addi %get3A_645, %get3A_4 : vector<16xi32>
        %swap3A_647 = arith.index_cast %add3A_642 : i32 to index
        %swap3A_648 = tpu.vector_load %arg6[%swap3A_647] {strides = array<i32>} : memref<6400xi32, #tpu.memory_space<vmem>>, vector<16xi32>,
        %swap3A_649 = vector.shape_cast %swap3A_648 : vector<16xi32> to vector<16xi32>
        %swap3A_650 = vector.shape_cast %add3A_646 : vector<16xi32> to vector<16xi32>
        tpu.vector_store %arg6[%swap3A_647], %swap3A_650 {strides = array<i32>} : memref<6400xi32, #tpu.memory_space<vmem>>, vector<16xi32>,
        %mul3A_651 = arith.constant 128 : i32
        %mul3A_652 = arith.muli %add3A_626, %mul3A_651 : i32
        %add3A_653 = arith.constant 32 : i32
        %add3A_654 = arith.addi %mul3A_652, %add3A_653 : i32
        %get3A_655 = arith.index_cast %add3A_654 : i32 to index
        %get3A_656 = tpu.vector_load %arg6[%get3A_655] {strides = array<i32>} : memref<6400xi32, #tpu.memory_space<vmem>>, vector<16xi32>,
        %get3A_657 = vector.shape_cast %get3A_656 : vector<16xi32> to vector<16xi32>
        %add3A_658 = arith.addi %get3A_657, %get3A_4 : vector<16xi32>
        %swap3A_659 = arith.index_cast %add3A_654 : i32 to index
        %swap3A_660 = tpu.vector_load %arg6[%swap3A_659] {strides = array<i32>} : memref<6400xi32, #tpu.memory_space<vmem>>, vector<16xi32>,
        %swap3A_661 = vector.shape_cast %swap3A_660 : vector<16xi32> to vector<16xi32>
        %swap3A_662 = vector.shape_cast %add3A_658 : vector<16xi32> to vector<16xi32>
        tpu.vector_store %arg6[%swap3A_659], %swap3A_662 {strides = array<i32>} : memref<6400xi32, #tpu.memory_space<vmem>>, vector<16xi32>,
        %mul3A_663 = arith.constant 128 : i32
        %mul3A_664 = arith.muli %add3A_626, %mul3A_663 : i32
        %add3A_665 = arith.constant 48 : i32
        %add3A_666 = arith.addi %mul3A_664, %add3A_665 : i32
        %get3A_667 = arith.index_cast %add3A_666 : i32 to index
        %get3A_668 = tpu.vector_load %arg6[%get3A_667] {strides = array<i32>} : memref<6400xi32, #tpu.memory_space<vmem>>, vector<16xi32>,
        %get3A_669 = vector.shape_cast %get3A_668 : vector<16xi32> to vector<16xi32>
        %add3A_670 = arith.addi %get3A_669, %get3A_4 : vector<16xi32>
        %swap3A_671 = arith.index_cast %add3A_666 : i32 to index
        %swap3A_672 = tpu.vector_load %arg6[%swap3A_671] {strides = array<i32>} : memref<6400xi32, #tpu.memory_space<vmem>>, vector<16xi32>,
        %swap3A_673 = vector.shape_cast %swap3A_672 : vector<16xi32> to vector<16xi32>
        %swap3A_674 = vector.shape_cast %add3A_670 : vector<16xi32> to vector<16xi32>
        tpu.vector_store %arg6[%swap3A_671], %swap3A_674 {strides = array<i32>} : memref<6400xi32, #tpu.memory_space<vmem>>, vector<16xi32>,
        %mul3A_675 = arith.constant 128 : i32
        %mul3A_676 = arith.muli %add3A_626, %mul3A_675 : i32
        %add3A_677 = arith.constant 64 : i32
        %add3A_678 = arith.addi %mul3A_676, %add3A_677 : i32
        %get3A_679 = arith.index_cast %add3A_678 : i32 to index
        %get3A_680 = tpu.vector_load %arg6[%get3A_679] {strides = array<i32>} : memref<6400xi32, #tpu.memory_space<vmem>>, vector<16xi32>,
        %get3A_681 = vector.shape_cast %get3A_680 : vector<16xi32> to vector<16xi32>
        %add3A_682 = arith.addi %get3A_681, %get3A_4 : vector<16xi32>
        %swap3A_683 = arith.index_cast %add3A_678 : i32 to index
        %swap3A_684 = tpu.vector_load %arg6[%swap3A_683] {strides = array<i32>} : memref<6400xi32, #tpu.memory_space<vmem>>, vector<16xi32>,
        %swap3A_685 = vector.shape_cast %swap3A_684 : vector<16xi32> to vector<16xi32>
        %swap3A_686 = vector.shape_cast %add3A_682 : vector<16xi32> to vector<16xi32>
        tpu.vector_store %arg6[%swap3A_683], %swap3A_686 {strides = array<i32>} : memref<6400xi32, #tpu.memory_space<vmem>>, vector<16xi32>,
        %mul3A_687 = arith.constant 128 : i32
        %mul3A_688 = arith.muli %add3A_626, %mul3A_687 : i32
        %add3A_689 = arith.constant 80 : i32
        %add3A_690 = arith.addi %mul3A_688, %add3A_689 : i32
        %get3A_691 = arith.index_cast %add3A_690 : i32 to index
        %get3A_692 = tpu.vector_load %arg6[%get3A_691] {strides = array<i32>} : memref<6400xi32, #tpu.memory_space<vmem>>, vector<16xi32>,
        %get3A_693 = vector.shape_cast %get3A_692 : vector<16xi32> to vector<16xi32>
        %add3A_694 = arith.addi %get3A_693, %get3A_4 : vector<16xi32>
        %swap3A_695 = arith.index_cast %add3A_690 : i32 to index
        %swap3A_696 = tpu.vector_load %arg6[%swap3A_695] {strides = array<i32>} : memref<6400xi32, #tpu.memory_space<vmem>>, vector<16xi32>,
        %swap3A_697 = vector.shape_cast %swap3A_696 : vector<16xi32> to vector<16xi32>
        %swap3A_698 = vector.shape_cast %add3A_694 : vector<16xi32> to vector<16xi32>
        tpu.vector_store %arg6[%swap3A_695], %swap3A_698 {strides = array<i32>} : memref<6400xi32, #tpu.memory_space<vmem>>, vector<16xi32>,
        %mul3A_699 = arith.constant 128 : i32
        %mul3A_700 = arith.muli %add3A_626, %mul3A_699 : i32
        %add3A_701 = arith.constant 96 : i32
        %add3A_702 = arith.addi %mul3A_700, %add3A_701 : i32
        %get3A_703 = arith.index_cast %add3A_702 : i32 to index
        %get3A_704 = tpu.vector_load %arg6[%get3A_703] {strides = array<i32>} : memref<6400xi32, #tpu.memory_space<vmem>>, vector<16xi32>,
        %get3A_705 = vector.shape_cast %get3A_704 : vector<16xi32> to vector<16xi32>
        %add3A_706 = arith.addi %get3A_705, %get3A_4 : vector<16xi32>
        %swap3A_707 = arith.index_cast %add3A_702 : i32 to index
        %swap3A_708 = tpu.vector_load %arg6[%swap3A_707] {strides = array<i32>} : memref<6400xi32, #tpu.memory_space<vmem>>, vector<16xi32>,
        %swap3A_709 = vector.shape_cast %swap3A_708 : vector<16xi32> to vector<16xi32>
        %swap3A_710 = vector.shape_cast %add3A_706 : vector<16xi32> to vector<16xi32>
        tpu.vector_store %arg6[%swap3A_707], %swap3A_710 {strides = array<i32>} : memref<6400xi32, #tpu.memory_space<vmem>>, vector<16xi32>,
        %mul3A_711 = arith.constant 128 : i32
        %mul3A_712 = arith.muli %add3A_626, %mul3A_711 : i32
        %add3A_713 = arith.constant 112 : i32
        %add3A_714 = arith.addi %mul3A_712, %add3A_713 : i32
        %get3A_715 = arith.index_cast %add3A_714 : i32 to index
        %get3A_716 = tpu.vector_load %arg6[%get3A_715] {strides = array<i32>} : memref<6400xi32, #tpu.memory_space<vmem>>, vector<16xi32>,
        %get3A_717 = vector.shape_cast %get3A_716 : vector<16xi32> to vector<16xi32>
        %add3A_718 = arith.addi %get3A_717, %get3A_4 : vector<16xi32>
        %swap3A_719 = arith.index_cast %add3A_714 : i32 to index
        %swap3A_720 = tpu.vector_load %arg6[%swap3A_719] {strides = array<i32>} : memref<6400xi32, #tpu.memory_space<vmem>>, vector<16xi32>,
        %swap3A_721 = vector.shape_cast %swap3A_720 : vector<16xi32> to vector<16xi32>
        %swap3A_722 = vector.shape_cast %add3A_718 : vector<16xi32> to vector<16xi32>
        tpu.vector_store %arg6[%swap3A_719], %swap3A_722 {strides = array<i32>} : memref<6400xi32, #tpu.memory_space<vmem>>, vector<16xi32>,
        %dma_wait3A_723 = arith.constant 0 : i32
        %dma_wait3A_724 = arith.constant 0 : i32
        %dma_wait3A_725 = arith.constant 0 : i32
        %dma_wait3A_726 = tpu.memref_slice %arg8[%dma_wait3A_723, %dma_wait3A_724, %dma_wait3A_725] : memref<5x128x128xf32, #tpu.memory_space<vmem>> -> memref<1x128x64xf32, #tpu.memory_space<vmem>>
        %dma_wait3A_727 = tpu.memref_squeeze %dma_wait3A_726 : memref<1x128x64xf32, #tpu.memory_space<vmem>> -> memref<128x64xf32, #tpu.memory_space<vmem>>
        %dma_wait3A_728 = arith.constant 0 : i32
        %dma_wait3A_729 = tpu.memref_slice %arg5[%mul3A_2, %dma_wait3A_728] : memref<204800x128xf32, #tpu.memory_space<hbm>> -> memref<128x64xf32, #tpu.memory_space<hbm>>
        %dma_wait3A_730 = arith.constant 0 : i32
        %dma_wait3A_731 = arith.constant 0 : i32
        %dma_wait3A_732 = tpu.memref_slice %arg8[%dma_wait3A_723, %dma_wait3A_730, %dma_wait3A_731] : memref<5x128x128xf32, #tpu.memory_space<vmem>> -> memref<1x128x64xf32, #tpu.memory_space<vmem>>
        %dma_wait3A_733 = tpu.memref_squeeze %dma_wait3A_732 : memref<1x128x64xf32, #tpu.memory_space<vmem>> -> memref<128x64xf32, #tpu.memory_space<vmem>>
        %dma_wait3A_734 = arith.constant 0 : i32
        %dma_wait3A_735 = tpu.memref_slice %arg5[%mul3A_2, %dma_wait3A_734] : memref<204800x128xf32, #tpu.memory_space<hbm>> -> memref<128x64xf32, #tpu.memory_space<hbm>>
        tpu.wait_dma2 semaphore(%arg10 : memref<!tpu.dma_semaphore, #tpu.memory_space<semaphore_mem>>) src(%dma_wait3A_735 : memref<128x64xf32, #tpu.memory_space<hbm>>) dst(%dma_wait3A_733 : memref<128x64xf32, #tpu.memory_space<vmem>>)
        %add3A_736 = arith.constant 5 : i32
        %add3A_737 = arith.addi %add3A_446, %add3A_736 : i32
        %mul3A_738 = arith.constant 128 : i32
        %mul3A_739 = arith.muli %add3A_737, %mul3A_738 : i32
        %dma_start3A_740 = arith.constant 0 : i32
        %dma_start3A_741 = arith.constant 0 : i32
        %dma_start3A_742 = arith.constant 0 : i32
        %dma_start3A_743 = tpu.memref_slice %arg8[%dma_start3A_740, %dma_start3A_741, %dma_start3A_742] : memref<5x128x128xf32, #tpu.memory_space<vmem>> -> memref<1x128x128xf32, #tpu.memory_space<vmem>>
        %dma_start3A_744 = tpu.memref_squeeze %dma_start3A_743 : memref<1x128x128xf32, #tpu.memory_space<vmem>> -> memref<128x128xf32, #tpu.memory_space<vmem>>
        %dma_start3A_745 = tpu.memref_slice %arg6[%mul3A_739] : memref<6400xi32, #tpu.memory_space<vmem>> -> memref<128xi32, #tpu.memory_space<vmem>>
        %dma_start3A_746 = arith.constant 0 : i32
        %dma_start3A_747 = arith.constant 0 : i32
        %dma_start3A_748 = tpu.memref_slice %arg3[%dma_start3A_746, %dma_start3A_747] : memref<400000x128xf32, #tpu.memory_space<hbm>> -> memref<400000x128xf32, #tpu.memory_space<hbm>>
        tpu.enqueue_indirect_dma source(%dma_start3A_748 : memref<400000x128xf32, #tpu.memory_space<hbm>>) target(%dma_start3A_744 : memref<128x128xf32, #tpu.memory_space<vmem>>) offsets(%dma_start3A_745 : memref<128xi32, #tpu.memory_space<vmem>>) semaphore(%arg9 : memref<!tpu.dma_semaphore, #tpu.memory_space<semaphore_mem>>)
      } else {
      }
      %mul3A_477 = arith.constant 5 : i32
      %mul3A_478 = arith.muli %scan3A_442, %mul3A_477 : i32
      %add3A_479 = arith.constant 1 : i32
      %add3A_480 = arith.addi %mul3A_478, %add3A_479 : i32
      %dma_wait3A_481 = arith.constant 1 : i32
      %dma_wait3A_482 = arith.constant 0 : i32
      %dma_wait3A_483 = arith.constant 0 : i32
      %dma_wait3A_484 = tpu.memref_slice %arg8[%dma_wait3A_481, %dma_wait3A_482, %dma_wait3A_483] : memref<5x128x128xf32, #tpu.memory_space<vmem>> -> memref<1x128x128xf32, #tpu.memory_space<vmem>>
      %dma_wait3A_485 = tpu.memref_squeeze %dma_wait3A_484 : memref<1x128x128xf32, #tpu.memory_space<vmem>> -> memref<128x128xf32, #tpu.memory_space<vmem>>
      %dma_wait3A_486 = arith.constant 0 : i32
      %dma_wait3A_487 = tpu.memref_slice %arg6[%dma_wait3A_486] : memref<6400xi32, #tpu.memory_space<vmem>> -> memref<128xi32, #tpu.memory_space<vmem>>
      %dma_wait3A_488 = arith.constant 0 : i32
      %dma_wait3A_489 = arith.constant 0 : i32
      %dma_wait3A_490 = tpu.memref_slice %arg3[%dma_wait3A_488, %dma_wait3A_489] : memref<400000x128xf32, #tpu.memory_space<hbm>> -> memref<400000x128xf32, #tpu.memory_space<hbm>>
      tpu.wait_indirect_dma semaphore(%arg9 : memref<!tpu.dma_semaphore, #tpu.memory_space<semaphore_mem>>) src(%dma_wait3A_490 : memref<400000x128xf32, #tpu.memory_space<hbm>>) dst(%dma_wait3A_485 : memref<128x128xf32, #tpu.memory_space<vmem>>)
      %mul3A_491 = arith.constant 128 : i32
      %mul3A_492 = arith.muli %add3A_480, %mul3A_491 : i32
      %add3A_493 = arith.addi %mul3A_2, %mul3A_492 : i32
      %dma_start3A_494 = arith.constant 1 : i32
      %dma_start3A_495 = arith.constant 0 : i32
      %dma_start3A_496 = arith.constant 0 : i32
      %dma_start3A_497 = tpu.memref_slice %arg8[%dma_start3A_494, %dma_start3A_495, %dma_start3A_496] : memref<5x128x128xf32, #tpu.memory_space<vmem>> -> memref<1x128x64xf32, #tpu.memory_space<vmem>>
      %dma_start3A_498 = tpu.memref_squeeze %dma_start3A_497 : memref<1x128x64xf32, #tpu.memory_space<vmem>> -> memref<128x64xf32, #tpu.memory_space<vmem>>
      %dma_start3A_499 = arith.constant 0 : i32
      %dma_start3A_500 = tpu.memref_slice %arg5[%add3A_493, %dma_start3A_499] : memref<204800x128xf32, #tpu.memory_space<hbm>> -> memref<128x64xf32, #tpu.memory_space<hbm>>
      %dma_start3A_501 = arith.constant 0 : i32
      %dma_start3A_502 = tpu.memref_slice %arg5[%add3A_493, %dma_start3A_501] : memref<204800x128xf32, #tpu.memory_space<hbm>> -> memref<128x64xf32, #tpu.memory_space<hbm>>
      %dma_start3A_503 = arith.constant 0 : i32
      %dma_start3A_504 = arith.constant 0 : i32
      %dma_start3A_505 = tpu.memref_slice %arg8[%dma_start3A_494, %dma_start3A_503, %dma_start3A_504] : memref<5x128x128xf32, #tpu.memory_space<vmem>> -> memref<1x128x64xf32, #tpu.memory_space<vmem>>
      %dma_start3A_506 = tpu.memref_squeeze %dma_start3A_505 : memref<1x128x64xf32, #tpu.memory_space<vmem>> -> memref<128x64xf32, #tpu.memory_space<vmem>>
      tpu.enqueue_dma source(%dma_start3A_506 : memref<128x64xf32, #tpu.memory_space<vmem>>) target(%dma_start3A_502 : memref<128x64xf32, #tpu.memory_space<hbm>>) target_semaphore(%arg10 : memref<!tpu.dma_semaphore, #tpu.memory_space<semaphore_mem>>)
      %add3A_507 = arith.constant 5 : i32
      %add3A_508 = arith.addi %add3A_480, %add3A_507 : i32
      %lt3A_509 = arith.constant 50 : i32
      %lt3A_510 = arith.cmpi slt, %add3A_508, %lt3A_509 : i32
      %convert_element_type3A_511 = arith.extui %lt3A_510 : i1 to i32
      %cond3A_512 = arith.constant 0 : i32
      %cond3A_513 = arith.cmpi ne, %convert_element_type3A_511, %cond3A_512 : i32
      scf.if %cond3A_513 {
        %add3A_625 = arith.constant 5 : i32
        %add3A_626 = arith.addi %add3A_480, %add3A_625 : i32
        %mul3A_627 = arith.constant 128 : i32
        %mul3A_628 = arith.muli %add3A_626, %mul3A_627 : i32
        %add3A_629 = arith.constant 0 : i32
        %add3A_630 = arith.addi %mul3A_628, %add3A_629 : i32
        %get3A_631 = arith.index_cast %add3A_630 : i32 to index
        %get3A_632 = tpu.vector_load %arg6[%get3A_631] {strides = array<i32>} : memref<6400xi32, #tpu.memory_space<vmem>>, vector<16xi32>,
        %get3A_633 = vector.shape_cast %get3A_632 : vector<16xi32> to vector<16xi32>
        %add3A_634 = arith.addi %get3A_633, %get3A_4 : vector<16xi32>
        %swap3A_635 = arith.index_cast %add3A_630 : i32 to index
        %swap3A_636 = tpu.vector_load %arg6[%swap3A_635] {strides = array<i32>} : memref<6400xi32, #tpu.memory_space<vmem>>, vector<16xi32>,
        %swap3A_637 = vector.shape_cast %swap3A_636 : vector<16xi32> to vector<16xi32>
        %swap3A_638 = vector.shape_cast %add3A_634 : vector<16xi32> to vector<16xi32>
        tpu.vector_store %arg6[%swap3A_635], %swap3A_638 {strides = array<i32>} : memref<6400xi32, #tpu.memory_space<vmem>>, vector<16xi32>,
        %mul3A_639 = arith.constant 128 : i32
        %mul3A_640 = arith.muli %add3A_626, %mul3A_639 : i32
        %add3A_641 = arith.constant 16 : i32
        %add3A_642 = arith.addi %mul3A_640, %add3A_641 : i32
        %get3A_643 = arith.index_cast %add3A_642 : i32 to index
        %get3A_644 = tpu.vector_load %arg6[%get3A_643] {strides = array<i32>} : memref<6400xi32, #tpu.memory_space<vmem>>, vector<16xi32>,
        %get3A_645 = vector.shape_cast %get3A_644 : vector<16xi32> to vector<16xi32>
        %add3A_646 = arith.addi %get3A_645, %get3A_4 : vector<16xi32>
        %swap3A_647 = arith.index_cast %add3A_642 : i32 to index
        %swap3A_648 = tpu.vector_load %arg6[%swap3A_647] {strides = array<i32>} : memref<6400xi32, #tpu.memory_space<vmem>>, vector<16xi32>,
        %swap3A_649 = vector.shape_cast %swap3A_648 : vector<16xi32> to vector<16xi32>
        %swap3A_650 = vector.shape_cast %add3A_646 : vector<16xi32> to vector<16xi32>
        tpu.vector_store %arg6[%swap3A_647], %swap3A_650 {strides = array<i32>} : memref<6400xi32, #tpu.memory_space<vmem>>, vector<16xi32>,
        %mul3A_651 = arith.constant 128 : i32
        %mul3A_652 = arith.muli %add3A_626, %mul3A_651 : i32
        %add3A_653 = arith.constant 32 : i32
        %add3A_654 = arith.addi %mul3A_652, %add3A_653 : i32
        %get3A_655 = arith.index_cast %add3A_654 : i32 to index
        %get3A_656 = tpu.vector_load %arg6[%get3A_655] {strides = array<i32>} : memref<6400xi32, #tpu.memory_space<vmem>>, vector<16xi32>,
        %get3A_657 = vector.shape_cast %get3A_656 : vector<16xi32> to vector<16xi32>
        %add3A_658 = arith.addi %get3A_657, %get3A_4 : vector<16xi32>
        %swap3A_659 = arith.index_cast %add3A_654 : i32 to index
        %swap3A_660 = tpu.vector_load %arg6[%swap3A_659] {strides = array<i32>} : memref<6400xi32, #tpu.memory_space<vmem>>, vector<16xi32>,
        %swap3A_661 = vector.shape_cast %swap3A_660 : vector<16xi32> to vector<16xi32>
        %swap3A_662 = vector.shape_cast %add3A_658 : vector<16xi32> to vector<16xi32>
        tpu.vector_store %arg6[%swap3A_659], %swap3A_662 {strides = array<i32>} : memref<6400xi32, #tpu.memory_space<vmem>>, vector<16xi32>,
        %mul3A_663 = arith.constant 128 : i32
        %mul3A_664 = arith.muli %add3A_626, %mul3A_663 : i32
        %add3A_665 = arith.constant 48 : i32
        %add3A_666 = arith.addi %mul3A_664, %add3A_665 : i32
        %get3A_667 = arith.index_cast %add3A_666 : i32 to index
        %get3A_668 = tpu.vector_load %arg6[%get3A_667] {strides = array<i32>} : memref<6400xi32, #tpu.memory_space<vmem>>, vector<16xi32>,
        %get3A_669 = vector.shape_cast %get3A_668 : vector<16xi32> to vector<16xi32>
        %add3A_670 = arith.addi %get3A_669, %get3A_4 : vector<16xi32>
        %swap3A_671 = arith.index_cast %add3A_666 : i32 to index
        %swap3A_672 = tpu.vector_load %arg6[%swap3A_671] {strides = array<i32>} : memref<6400xi32, #tpu.memory_space<vmem>>, vector<16xi32>,
        %swap3A_673 = vector.shape_cast %swap3A_672 : vector<16xi32> to vector<16xi32>
        %swap3A_674 = vector.shape_cast %add3A_670 : vector<16xi32> to vector<16xi32>
        tpu.vector_store %arg6[%swap3A_671], %swap3A_674 {strides = array<i32>} : memref<6400xi32, #tpu.memory_space<vmem>>, vector<16xi32>,
        %mul3A_675 = arith.constant 128 : i32
        %mul3A_676 = arith.muli %add3A_626, %mul3A_675 : i32
        %add3A_677 = arith.constant 64 : i32
        %add3A_678 = arith.addi %mul3A_676, %add3A_677 : i32
        %get3A_679 = arith.index_cast %add3A_678 : i32 to index
        %get3A_680 = tpu.vector_load %arg6[%get3A_679] {strides = array<i32>} : memref<6400xi32, #tpu.memory_space<vmem>>, vector<16xi32>,
        %get3A_681 = vector.shape_cast %get3A_680 : vector<16xi32> to vector<16xi32>
        %add3A_682 = arith.addi %get3A_681, %get3A_4 : vector<16xi32>
        %swap3A_683 = arith.index_cast %add3A_678 : i32 to index
        %swap3A_684 = tpu.vector_load %arg6[%swap3A_683] {strides = array<i32>} : memref<6400xi32, #tpu.memory_space<vmem>>, vector<16xi32>,
        %swap3A_685 = vector.shape_cast %swap3A_684 : vector<16xi32> to vector<16xi32>
        %swap3A_686 = vector.shape_cast %add3A_682 : vector<16xi32> to vector<16xi32>
        tpu.vector_store %arg6[%swap3A_683], %swap3A_686 {strides = array<i32>} : memref<6400xi32, #tpu.memory_space<vmem>>, vector<16xi32>,
        %mul3A_687 = arith.constant 128 : i32
        %mul3A_688 = arith.muli %add3A_626, %mul3A_687 : i32
        %add3A_689 = arith.constant 80 : i32
        %add3A_690 = arith.addi %mul3A_688, %add3A_689 : i32
        %get3A_691 = arith.index_cast %add3A_690 : i32 to index
        %get3A_692 = tpu.vector_load %arg6[%get3A_691] {strides = array<i32>} : memref<6400xi32, #tpu.memory_space<vmem>>, vector<16xi32>,
        %get3A_693 = vector.shape_cast %get3A_692 : vector<16xi32> to vector<16xi32>
        %add3A_694 = arith.addi %get3A_693, %get3A_4 : vector<16xi32>
        %swap3A_695 = arith.index_cast %add3A_690 : i32 to index
        %swap3A_696 = tpu.vector_load %arg6[%swap3A_695] {strides = array<i32>} : memref<6400xi32, #tpu.memory_space<vmem>>, vector<16xi32>,
        %swap3A_697 = vector.shape_cast %swap3A_696 : vector<16xi32> to vector<16xi32>
        %swap3A_698 = vector.shape_cast %add3A_694 : vector<16xi32> to vector<16xi32>
        tpu.vector_store %arg6[%swap3A_695], %swap3A_698 {strides = array<i32>} : memref<6400xi32, #tpu.memory_space<vmem>>, vector<16xi32>,
        %mul3A_699 = arith.constant 128 : i32
        %mul3A_700 = arith.muli %add3A_626, %mul3A_699 : i32
        %add3A_701 = arith.constant 96 : i32
        %add3A_702 = arith.addi %mul3A_700, %add3A_701 : i32
        %get3A_703 = arith.index_cast %add3A_702 : i32 to index
        %get3A_704 = tpu.vector_load %arg6[%get3A_703] {strides = array<i32>} : memref<6400xi32, #tpu.memory_space<vmem>>, vector<16xi32>,
        %get3A_705 = vector.shape_cast %get3A_704 : vector<16xi32> to vector<16xi32>
        %add3A_706 = arith.addi %get3A_705, %get3A_4 : vector<16xi32>
        %swap3A_707 = arith.index_cast %add3A_702 : i32 to index
        %swap3A_708 = tpu.vector_load %arg6[%swap3A_707] {strides = array<i32>} : memref<6400xi32, #tpu.memory_space<vmem>>, vector<16xi32>,
        %swap3A_709 = vector.shape_cast %swap3A_708 : vector<16xi32> to vector<16xi32>
        %swap3A_710 = vector.shape_cast %add3A_706 : vector<16xi32> to vector<16xi32>
        tpu.vector_store %arg6[%swap3A_707], %swap3A_710 {strides = array<i32>} : memref<6400xi32, #tpu.memory_space<vmem>>, vector<16xi32>,
        %mul3A_711 = arith.constant 128 : i32
        %mul3A_712 = arith.muli %add3A_626, %mul3A_711 : i32
        %add3A_713 = arith.constant 112 : i32
        %add3A_714 = arith.addi %mul3A_712, %add3A_713 : i32
        %get3A_715 = arith.index_cast %add3A_714 : i32 to index
        %get3A_716 = tpu.vector_load %arg6[%get3A_715] {strides = array<i32>} : memref<6400xi32, #tpu.memory_space<vmem>>, vector<16xi32>,
        %get3A_717 = vector.shape_cast %get3A_716 : vector<16xi32> to vector<16xi32>
        %add3A_718 = arith.addi %get3A_717, %get3A_4 : vector<16xi32>
        %swap3A_719 = arith.index_cast %add3A_714 : i32 to index
        %swap3A_720 = tpu.vector_load %arg6[%swap3A_719] {strides = array<i32>} : memref<6400xi32, #tpu.memory_space<vmem>>, vector<16xi32>,
        %swap3A_721 = vector.shape_cast %swap3A_720 : vector<16xi32> to vector<16xi32>
        %swap3A_722 = vector.shape_cast %add3A_718 : vector<16xi32> to vector<16xi32>
        tpu.vector_store %arg6[%swap3A_719], %swap3A_722 {strides = array<i32>} : memref<6400xi32, #tpu.memory_space<vmem>>, vector<16xi32>,
        %dma_wait3A_723 = arith.constant 1 : i32
        %dma_wait3A_724 = arith.constant 0 : i32
        %dma_wait3A_725 = arith.constant 0 : i32
        %dma_wait3A_726 = tpu.memref_slice %arg8[%dma_wait3A_723, %dma_wait3A_724, %dma_wait3A_725] : memref<5x128x128xf32, #tpu.memory_space<vmem>> -> memref<1x128x64xf32, #tpu.memory_space<vmem>>
        %dma_wait3A_727 = tpu.memref_squeeze %dma_wait3A_726 : memref<1x128x64xf32, #tpu.memory_space<vmem>> -> memref<128x64xf32, #tpu.memory_space<vmem>>
        %dma_wait3A_728 = arith.constant 0 : i32
        %dma_wait3A_729 = tpu.memref_slice %arg5[%mul3A_2, %dma_wait3A_728] : memref<204800x128xf32, #tpu.memory_space<hbm>> -> memref<128x64xf32, #tpu.memory_space<hbm>>
        %dma_wait3A_730 = arith.constant 0 : i32
        %dma_wait3A_731 = arith.constant 0 : i32
        %dma_wait3A_732 = tpu.memref_slice %arg8[%dma_wait3A_723, %dma_wait3A_730, %dma_wait3A_731] : memref<5x128x128xf32, #tpu.memory_space<vmem>> -> memref<1x128x64xf32, #tpu.memory_space<vmem>>
        %dma_wait3A_733 = tpu.memref_squeeze %dma_wait3A_732 : memref<1x128x64xf32, #tpu.memory_space<vmem>> -> memref<128x64xf32, #tpu.memory_space<vmem>>
        %dma_wait3A_734 = arith.constant 0 : i32
        %dma_wait3A_735 = tpu.memref_slice %arg5[%mul3A_2, %dma_wait3A_734] : memref<204800x128xf32, #tpu.memory_space<hbm>> -> memref<128x64xf32, #tpu.memory_space<hbm>>
        tpu.wait_dma2 semaphore(%arg10 : memref<!tpu.dma_semaphore, #tpu.memory_space<semaphore_mem>>) src(%dma_wait3A_735 : memref<128x64xf32, #tpu.memory_space<hbm>>) dst(%dma_wait3A_733 : memref<128x64xf32, #tpu.memory_space<vmem>>)
        %add3A_736 = arith.constant 5 : i32
        %add3A_737 = arith.addi %add3A_480, %add3A_736 : i32
        %mul3A_738 = arith.constant 128 : i32
        %mul3A_739 = arith.muli %add3A_737, %mul3A_738 : i32
        %dma_start3A_740 = arith.constant 1 : i32
        %dma_start3A_741 = arith.constant 0 : i32
        %dma_start3A_742 = arith.constant 0 : i32
        %dma_start3A_743 = tpu.memref_slice %arg8[%dma_start3A_740, %dma_start3A_741, %dma_start3A_742] : memref<5x128x128xf32, #tpu.memory_space<vmem>> -> memref<1x128x128xf32, #tpu.memory_space<vmem>>
        %dma_start3A_744 = tpu.memref_squeeze %dma_start3A_743 : memref<1x128x128xf32, #tpu.memory_space<vmem>> -> memref<128x128xf32, #tpu.memory_space<vmem>>
        %dma_start3A_745 = tpu.memref_slice %arg6[%mul3A_739] : memref<6400xi32, #tpu.memory_space<vmem>> -> memref<128xi32, #tpu.memory_space<vmem>>
        %dma_start3A_746 = arith.constant 0 : i32
        %dma_start3A_747 = arith.constant 0 : i32
        %dma_start3A_748 = tpu.memref_slice %arg3[%dma_start3A_746, %dma_start3A_747] : memref<400000x128xf32, #tpu.memory_space<hbm>> -> memref<400000x128xf32, #tpu.memory_space<hbm>>
        tpu.enqueue_indirect_dma source(%dma_start3A_748 : memref<400000x128xf32, #tpu.memory_space<hbm>>) target(%dma_start3A_744 : memref<128x128xf32, #tpu.memory_space<vmem>>) offsets(%dma_start3A_745 : memref<128xi32, #tpu.memory_space<vmem>>) semaphore(%arg9 : memref<!tpu.dma_semaphore, #tpu.memory_space<semaphore_mem>>)
      } else {
      }
      %mul3A_514 = arith.constant 5 : i32
      %mul3A_515 = arith.muli %scan3A_442, %mul3A_514 : i32
      %add3A_516 = arith.constant 2 : i32
      %add3A_517 = arith.addi %mul3A_515, %add3A_516 : i32
      %dma_wait3A_518 = arith.constant 2 : i32
      %dma_wait3A_519 = arith.constant 0 : i32
      %dma_wait3A_520 = arith.constant 0 : i32
      %dma_wait3A_521 = tpu.memref_slice %arg8[%dma_wait3A_518, %dma_wait3A_519, %dma_wait3A_520] : memref<5x128x128xf32, #tpu.memory_space<vmem>> -> memref<1x128x128xf32, #tpu.memory_space<vmem>>
      %dma_wait3A_522 = tpu.memref_squeeze %dma_wait3A_521 : memref<1x128x128xf32, #tpu.memory_space<vmem>> -> memref<128x128xf32, #tpu.memory_space<vmem>>
      %dma_wait3A_523 = arith.constant 0 : i32
      %dma_wait3A_524 = tpu.memref_slice %arg6[%dma_wait3A_523] : memref<6400xi32, #tpu.memory_space<vmem>> -> memref<128xi32, #tpu.memory_space<vmem>>
      %dma_wait3A_525 = arith.constant 0 : i32
      %dma_wait3A_526 = arith.constant 0 : i32
      %dma_wait3A_527 = tpu.memref_slice %arg3[%dma_wait3A_525, %dma_wait3A_526] : memref<400000x128xf32, #tpu.memory_space<hbm>> -> memref<400000x128xf32, #tpu.memory_space<hbm>>
      tpu.wait_indirect_dma semaphore(%arg9 : memref<!tpu.dma_semaphore, #tpu.memory_space<semaphore_mem>>) src(%dma_wait3A_527 : memref<400000x128xf32, #tpu.memory_space<hbm>>) dst(%dma_wait3A_522 : memref<128x128xf32, #tpu.memory_space<vmem>>)
      %mul3A_528 = arith.constant 128 : i32
      %mul3A_529 = arith.muli %add3A_517, %mul3A_528 : i32
      %add3A_530 = arith.addi %mul3A_2, %mul3A_529 : i32
      %dma_start3A_531 = arith.constant 2 : i32
      %dma_start3A_532 = arith.constant 0 : i32
      %dma_start3A_533 = arith.constant 0 : i32
      %dma_start3A_534 = tpu.memref_slice %arg8[%dma_start3A_531, %dma_start3A_532, %dma_start3A_533] : memref<5x128x128xf32, #tpu.memory_space<vmem>> -> memref<1x128x64xf32, #tpu.memory_space<vmem>>
      %dma_start3A_535 = tpu.memref_squeeze %dma_start3A_534 : memref<1x128x64xf32, #tpu.memory_space<vmem>> -> memref<128x64xf32, #tpu.memory_space<vmem>>
      %dma_start3A_536 = arith.constant 0 : i32
      %dma_start3A_537 = tpu.memref_slice %arg5[%add3A_530, %dma_start3A_536] : memref<204800x128xf32, #tpu.memory_space<hbm>> -> memref<128x64xf32, #tpu.memory_space<hbm>>
      %dma_start3A_538 = arith.constant 0 : i32
      %dma_start3A_539 = tpu.memref_slice %arg5[%add3A_530, %dma_start3A_538] : memref<204800x128xf32, #tpu.memory_space<hbm>> -> memref<128x64xf32, #tpu.memory_space<hbm>>
      %dma_start3A_540 = arith.constant 0 : i32
      %dma_start3A_541 = arith.constant 0 : i32
      %dma_start3A_542 = tpu.memref_slice %arg8[%dma_start3A_531, %dma_start3A_540, %dma_start3A_541] : memref<5x128x128xf32, #tpu.memory_space<vmem>> -> memref<1x128x64xf32, #tpu.memory_space<vmem>>
      %dma_start3A_543 = tpu.memref_squeeze %dma_start3A_542 : memref<1x128x64xf32, #tpu.memory_space<vmem>> -> memref<128x64xf32, #tpu.memory_space<vmem>>
      tpu.enqueue_dma source(%dma_start3A_543 : memref<128x64xf32, #tpu.memory_space<vmem>>) target(%dma_start3A_539 : memref<128x64xf32, #tpu.memory_space<hbm>>) target_semaphore(%arg10 : memref<!tpu.dma_semaphore, #tpu.memory_space<semaphore_mem>>)
      %add3A_544 = arith.constant 5 : i32
      %add3A_545 = arith.addi %add3A_517, %add3A_544 : i32
      %lt3A_546 = arith.constant 50 : i32
      %lt3A_547 = arith.cmpi slt, %add3A_545, %lt3A_546 : i32
      %convert_element_type3A_548 = arith.extui %lt3A_547 : i1 to i32
      %cond3A_549 = arith.constant 0 : i32
      %cond3A_550 = arith.cmpi ne, %convert_element_type3A_548, %cond3A_549 : i32
      scf.if %cond3A_550 {
        %add3A_625 = arith.constant 5 : i32
        %add3A_626 = arith.addi %add3A_517, %add3A_625 : i32
        %mul3A_627 = arith.constant 128 : i32
        %mul3A_628 = arith.muli %add3A_626, %mul3A_627 : i32
        %add3A_629 = arith.constant 0 : i32
        %add3A_630 = arith.addi %mul3A_628, %add3A_629 : i32
        %get3A_631 = arith.index_cast %add3A_630 : i32 to index
        %get3A_632 = tpu.vector_load %arg6[%get3A_631] {strides = array<i32>} : memref<6400xi32, #tpu.memory_space<vmem>>, vector<16xi32>,
        %get3A_633 = vector.shape_cast %get3A_632 : vector<16xi32> to vector<16xi32>
        %add3A_634 = arith.addi %get3A_633, %get3A_4 : vector<16xi32>
        %swap3A_635 = arith.index_cast %add3A_630 : i32 to index
        %swap3A_636 = tpu.vector_load %arg6[%swap3A_635] {strides = array<i32>} : memref<6400xi32, #tpu.memory_space<vmem>>, vector<16xi32>,
        %swap3A_637 = vector.shape_cast %swap3A_636 : vector<16xi32> to vector<16xi32>
        %swap3A_638 = vector.shape_cast %add3A_634 : vector<16xi32> to vector<16xi32>
        tpu.vector_store %arg6[%swap3A_635], %swap3A_638 {strides = array<i32>} : memref<6400xi32, #tpu.memory_space<vmem>>, vector<16xi32>,
        %mul3A_639 = arith.constant 128 : i32
        %mul3A_640 = arith.muli %add3A_626, %mul3A_639 : i32
        %add3A_641 = arith.constant 16 : i32
        %add3A_642 = arith.addi %mul3A_640, %add3A_641 : i32
        %get3A_643 = arith.index_cast %add3A_642 : i32 to index
        %get3A_644 = tpu.vector_load %arg6[%get3A_643] {strides = array<i32>} : memref<6400xi32, #tpu.memory_space<vmem>>, vector<16xi32>,
        %get3A_645 = vector.shape_cast %get3A_644 : vector<16xi32> to vector<16xi32>
        %add3A_646 = arith.addi %get3A_645, %get3A_4 : vector<16xi32>
        %swap3A_647 = arith.index_cast %add3A_642 : i32 to index
        %swap3A_648 = tpu.vector_load %arg6[%swap3A_647] {strides = array<i32>} : memref<6400xi32, #tpu.memory_space<vmem>>, vector<16xi32>,
        %swap3A_649 = vector.shape_cast %swap3A_648 : vector<16xi32> to vector<16xi32>
        %swap3A_650 = vector.shape_cast %add3A_646 : vector<16xi32> to vector<16xi32>
        tpu.vector_store %arg6[%swap3A_647], %swap3A_650 {strides = array<i32>} : memref<6400xi32, #tpu.memory_space<vmem>>, vector<16xi32>,
        %mul3A_651 = arith.constant 128 : i32
        %mul3A_652 = arith.muli %add3A_626, %mul3A_651 : i32
        %add3A_653 = arith.constant 32 : i32
        %add3A_654 = arith.addi %mul3A_652, %add3A_653 : i32
        %get3A_655 = arith.index_cast %add3A_654 : i32 to index
        %get3A_656 = tpu.vector_load %arg6[%get3A_655] {strides = array<i32>} : memref<6400xi32, #tpu.memory_space<vmem>>, vector<16xi32>,
        %get3A_657 = vector.shape_cast %get3A_656 : vector<16xi32> to vector<16xi32>
        %add3A_658 = arith.addi %get3A_657, %get3A_4 : vector<16xi32>
        %swap3A_659 = arith.index_cast %add3A_654 : i32 to index
        %swap3A_660 = tpu.vector_load %arg6[%swap3A_659] {strides = array<i32>} : memref<6400xi32, #tpu.memory_space<vmem>>, vector<16xi32>,
        %swap3A_661 = vector.shape_cast %swap3A_660 : vector<16xi32> to vector<16xi32>
        %swap3A_662 = vector.shape_cast %add3A_658 : vector<16xi32> to vector<16xi32>
        tpu.vector_store %arg6[%swap3A_659], %swap3A_662 {strides = array<i32>} : memref<6400xi32, #tpu.memory_space<vmem>>, vector<16xi32>,
        %mul3A_663 = arith.constant 128 : i32
        %mul3A_664 = arith.muli %add3A_626, %mul3A_663 : i32
        %add3A_665 = arith.constant 48 : i32
        %add3A_666 = arith.addi %mul3A_664, %add3A_665 : i32
        %get3A_667 = arith.index_cast %add3A_666 : i32 to index
        %get3A_668 = tpu.vector_load %arg6[%get3A_667] {strides = array<i32>} : memref<6400xi32, #tpu.memory_space<vmem>>, vector<16xi32>,
        %get3A_669 = vector.shape_cast %get3A_668 : vector<16xi32> to vector<16xi32>
        %add3A_670 = arith.addi %get3A_669, %get3A_4 : vector<16xi32>
        %swap3A_671 = arith.index_cast %add3A_666 : i32 to index
        %swap3A_672 = tpu.vector_load %arg6[%swap3A_671] {strides = array<i32>} : memref<6400xi32, #tpu.memory_space<vmem>>, vector<16xi32>,
        %swap3A_673 = vector.shape_cast %swap3A_672 : vector<16xi32> to vector<16xi32>
        %swap3A_674 = vector.shape_cast %add3A_670 : vector<16xi32> to vector<16xi32>
        tpu.vector_store %arg6[%swap3A_671], %swap3A_674 {strides = array<i32>} : memref<6400xi32, #tpu.memory_space<vmem>>, vector<16xi32>,
        %mul3A_675 = arith.constant 128 : i32
        %mul3A_676 = arith.muli %add3A_626, %mul3A_675 : i32
        %add3A_677 = arith.constant 64 : i32
        %add3A_678 = arith.addi %mul3A_676, %add3A_677 : i32
        %get3A_679 = arith.index_cast %add3A_678 : i32 to index
        %get3A_680 = tpu.vector_load %arg6[%get3A_679] {strides = array<i32>} : memref<6400xi32, #tpu.memory_space<vmem>>, vector<16xi32>,
        %get3A_681 = vector.shape_cast %get3A_680 : vector<16xi32> to vector<16xi32>
        %add3A_682 = arith.addi %get3A_681, %get3A_4 : vector<16xi32>
        %swap3A_683 = arith.index_cast %add3A_678 : i32 to index
        %swap3A_684 = tpu.vector_load %arg6[%swap3A_683] {strides = array<i32>} : memref<6400xi32, #tpu.memory_space<vmem>>, vector<16xi32>,
        %swap3A_685 = vector.shape_cast %swap3A_684 : vector<16xi32> to vector<16xi32>
        %swap3A_686 = vector.shape_cast %add3A_682 : vector<16xi32> to vector<16xi32>
        tpu.vector_store %arg6[%swap3A_683], %swap3A_686 {strides = array<i32>} : memref<6400xi32, #tpu.memory_space<vmem>>, vector<16xi32>,
        %mul3A_687 = arith.constant 128 : i32
        %mul3A_688 = arith.muli %add3A_626, %mul3A_687 : i32
        %add3A_689 = arith.constant 80 : i32
        %add3A_690 = arith.addi %mul3A_688, %add3A_689 : i32
        %get3A_691 = arith.index_cast %add3A_690 : i32 to index
        %get3A_692 = tpu.vector_load %arg6[%get3A_691] {strides = array<i32>} : memref<6400xi32, #tpu.memory_space<vmem>>, vector<16xi32>,
        %get3A_693 = vector.shape_cast %get3A_692 : vector<16xi32> to vector<16xi32>
        %add3A_694 = arith.addi %get3A_693, %get3A_4 : vector<16xi32>
        %swap3A_695 = arith.index_cast %add3A_690 : i32 to index
        %swap3A_696 = tpu.vector_load %arg6[%swap3A_695] {strides = array<i32>} : memref<6400xi32, #tpu.memory_space<vmem>>, vector<16xi32>,
        %swap3A_697 = vector.shape_cast %swap3A_696 : vector<16xi32> to vector<16xi32>
        %swap3A_698 = vector.shape_cast %add3A_694 : vector<16xi32> to vector<16xi32>
        tpu.vector_store %arg6[%swap3A_695], %swap3A_698 {strides = array<i32>} : memref<6400xi32, #tpu.memory_space<vmem>>, vector<16xi32>,
        %mul3A_699 = arith.constant 128 : i32
        %mul3A_700 = arith.muli %add3A_626, %mul3A_699 : i32
        %add3A_701 = arith.constant 96 : i32
        %add3A_702 = arith.addi %mul3A_700, %add3A_701 : i32
        %get3A_703 = arith.index_cast %add3A_702 : i32 to index
        %get3A_704 = tpu.vector_load %arg6[%get3A_703] {strides = array<i32>} : memref<6400xi32, #tpu.memory_space<vmem>>, vector<16xi32>,
        %get3A_705 = vector.shape_cast %get3A_704 : vector<16xi32> to vector<16xi32>
        %add3A_706 = arith.addi %get3A_705, %get3A_4 : vector<16xi32>
        %swap3A_707 = arith.index_cast %add3A_702 : i32 to index
        %swap3A_708 = tpu.vector_load %arg6[%swap3A_707] {strides = array<i32>} : memref<6400xi32, #tpu.memory_space<vmem>>, vector<16xi32>,
        %swap3A_709 = vector.shape_cast %swap3A_708 : vector<16xi32> to vector<16xi32>
        %swap3A_710 = vector.shape_cast %add3A_706 : vector<16xi32> to vector<16xi32>
        tpu.vector_store %arg6[%swap3A_707], %swap3A_710 {strides = array<i32>} : memref<6400xi32, #tpu.memory_space<vmem>>, vector<16xi32>,
        %mul3A_711 = arith.constant 128 : i32
        %mul3A_712 = arith.muli %add3A_626, %mul3A_711 : i32
        %add3A_713 = arith.constant 112 : i32
        %add3A_714 = arith.addi %mul3A_712, %add3A_713 : i32
        %get3A_715 = arith.index_cast %add3A_714 : i32 to index
        %get3A_716 = tpu.vector_load %arg6[%get3A_715] {strides = array<i32>} : memref<6400xi32, #tpu.memory_space<vmem>>, vector<16xi32>,
        %get3A_717 = vector.shape_cast %get3A_716 : vector<16xi32> to vector<16xi32>
        %add3A_718 = arith.addi %get3A_717, %get3A_4 : vector<16xi32>
        %swap3A_719 = arith.index_cast %add3A_714 : i32 to index
        %swap3A_720 = tpu.vector_load %arg6[%swap3A_719] {strides = array<i32>} : memref<6400xi32, #tpu.memory_space<vmem>>, vector<16xi32>,
        %swap3A_721 = vector.shape_cast %swap3A_720 : vector<16xi32> to vector<16xi32>
        %swap3A_722 = vector.shape_cast %add3A_718 : vector<16xi32> to vector<16xi32>
        tpu.vector_store %arg6[%swap3A_719], %swap3A_722 {strides = array<i32>} : memref<6400xi32, #tpu.memory_space<vmem>>, vector<16xi32>,
        %dma_wait3A_723 = arith.constant 2 : i32
        %dma_wait3A_724 = arith.constant 0 : i32
        %dma_wait3A_725 = arith.constant 0 : i32
        %dma_wait3A_726 = tpu.memref_slice %arg8[%dma_wait3A_723, %dma_wait3A_724, %dma_wait3A_725] : memref<5x128x128xf32, #tpu.memory_space<vmem>> -> memref<1x128x64xf32, #tpu.memory_space<vmem>>
        %dma_wait3A_727 = tpu.memref_squeeze %dma_wait3A_726 : memref<1x128x64xf32, #tpu.memory_space<vmem>> -> memref<128x64xf32, #tpu.memory_space<vmem>>
        %dma_wait3A_728 = arith.constant 0 : i32
        %dma_wait3A_729 = tpu.memref_slice %arg5[%mul3A_2, %dma_wait3A_728] : memref<204800x128xf32, #tpu.memory_space<hbm>> -> memref<128x64xf32, #tpu.memory_space<hbm>>
        %dma_wait3A_730 = arith.constant 0 : i32
        %dma_wait3A_731 = arith.constant 0 : i32
        %dma_wait3A_732 = tpu.memref_slice %arg8[%dma_wait3A_723, %dma_wait3A_730, %dma_wait3A_731] : memref<5x128x128xf32, #tpu.memory_space<vmem>> -> memref<1x128x64xf32, #tpu.memory_space<vmem>>
        %dma_wait3A_733 = tpu.memref_squeeze %dma_wait3A_732 : memref<1x128x64xf32, #tpu.memory_space<vmem>> -> memref<128x64xf32, #tpu.memory_space<vmem>>
        %dma_wait3A_734 = arith.constant 0 : i32
        %dma_wait3A_735 = tpu.memref_slice %arg5[%mul3A_2, %dma_wait3A_734] : memref<204800x128xf32, #tpu.memory_space<hbm>> -> memref<128x64xf32, #tpu.memory_space<hbm>>
        tpu.wait_dma2 semaphore(%arg10 : memref<!tpu.dma_semaphore, #tpu.memory_space<semaphore_mem>>) src(%dma_wait3A_735 : memref<128x64xf32, #tpu.memory_space<hbm>>) dst(%dma_wait3A_733 : memref<128x64xf32, #tpu.memory_space<vmem>>)
        %add3A_736 = arith.constant 5 : i32
        %add3A_737 = arith.addi %add3A_517, %add3A_736 : i32
        %mul3A_738 = arith.constant 128 : i32
        %mul3A_739 = arith.muli %add3A_737, %mul3A_738 : i32
        %dma_start3A_740 = arith.constant 2 : i32
        %dma_start3A_741 = arith.constant 0 : i32
        %dma_start3A_742 = arith.constant 0 : i32
        %dma_start3A_743 = tpu.memref_slice %arg8[%dma_start3A_740, %dma_start3A_741, %dma_start3A_742] : memref<5x128x128xf32, #tpu.memory_space<vmem>> -> memref<1x128x128xf32, #tpu.memory_space<vmem>>
        %dma_start3A_744 = tpu.memref_squeeze %dma_start3A_743 : memref<1x128x128xf32, #tpu.memory_space<vmem>> -> memref<128x128xf32, #tpu.memory_space<vmem>>
        %dma_start3A_745 = tpu.memref_slice %arg6[%mul3A_739] : memref<6400xi32, #tpu.memory_space<vmem>> -> memref<128xi32, #tpu.memory_space<vmem>>
        %dma_start3A_746 = arith.constant 0 : i32
        %dma_start3A_747 = arith.constant 0 : i32
        %dma_start3A_748 = tpu.memref_slice %arg3[%dma_start3A_746, %dma_start3A_747] : memref<400000x128xf32, #tpu.memory_space<hbm>> -> memref<400000x128xf32, #tpu.memory_space<hbm>>
        tpu.enqueue_indirect_dma source(%dma_start3A_748 : memref<400000x128xf32, #tpu.memory_space<hbm>>) target(%dma_start3A_744 : memref<128x128xf32, #tpu.memory_space<vmem>>) offsets(%dma_start3A_745 : memref<128xi32, #tpu.memory_space<vmem>>) semaphore(%arg9 : memref<!tpu.dma_semaphore, #tpu.memory_space<semaphore_mem>>)
      } else {
      }
      %mul3A_551 = arith.constant 5 : i32
      %mul3A_552 = arith.muli %scan3A_442, %mul3A_551 : i32
      %add3A_553 = arith.constant 3 : i32
      %add3A_554 = arith.addi %mul3A_552, %add3A_553 : i32
      %dma_wait3A_555 = arith.constant 3 : i32
      %dma_wait3A_556 = arith.constant 0 : i32
      %dma_wait3A_557 = arith.constant 0 : i32
      %dma_wait3A_558 = tpu.memref_slice %arg8[%dma_wait3A_555, %dma_wait3A_556, %dma_wait3A_557] : memref<5x128x128xf32, #tpu.memory_space<vmem>> -> memref<1x128x128xf32, #tpu.memory_space<vmem>>
      %dma_wait3A_559 = tpu.memref_squeeze %dma_wait3A_558 : memref<1x128x128xf32, #tpu.memory_space<vmem>> -> memref<128x128xf32, #tpu.memory_space<vmem>>
      %dma_wait3A_560 = arith.constant 0 : i32
      %dma_wait3A_561 = tpu.memref_slice %arg6[%dma_wait3A_560] : memref<6400xi32, #tpu.memory_space<vmem>> -> memref<128xi32, #tpu.memory_space<vmem>>
      %dma_wait3A_562 = arith.constant 0 : i32
      %dma_wait3A_563 = arith.constant 0 : i32
      %dma_wait3A_564 = tpu.memref_slice %arg3[%dma_wait3A_562, %dma_wait3A_563] : memref<400000x128xf32, #tpu.memory_space<hbm>> -> memref<400000x128xf32, #tpu.memory_space<hbm>>
      tpu.wait_indirect_dma semaphore(%arg9 : memref<!tpu.dma_semaphore, #tpu.memory_space<semaphore_mem>>) src(%dma_wait3A_564 : memref<400000x128xf32, #tpu.memory_space<hbm>>) dst(%dma_wait3A_559 : memref<128x128xf32, #tpu.memory_space<vmem>>)
      %mul3A_565 = arith.constant 128 : i32
      %mul3A_566 = arith.muli %add3A_554, %mul3A_565 : i32
      %add3A_567 = arith.addi %mul3A_2, %mul3A_566 : i32
      %dma_start3A_568 = arith.constant 3 : i32
      %dma_start3A_569 = arith.constant 0 : i32
      %dma_start3A_570 = arith.constant 0 : i32
      %dma_start3A_571 = tpu.memref_slice %arg8[%dma_start3A_568, %dma_start3A_569, %dma_start3A_570] : memref<5x128x128xf32, #tpu.memory_space<vmem>> -> memref<1x128x64xf32, #tpu.memory_space<vmem>>
      %dma_start3A_572 = tpu.memref_squeeze %dma_start3A_571 : memref<1x128x64xf32, #tpu.memory_space<vmem>> -> memref<128x64xf32, #tpu.memory_space<vmem>>
      %dma_start3A_573 = arith.constant 0 : i32
      %dma_start3A_574 = tpu.memref_slice %arg5[%add3A_567, %dma_start3A_573] : memref<204800x128xf32, #tpu.memory_space<hbm>> -> memref<128x64xf32, #tpu.memory_space<hbm>>
      %dma_start3A_575 = arith.constant 0 : i32
      %dma_start3A_576 = tpu.memref_slice %arg5[%add3A_567, %dma_start3A_575] : memref<204800x128xf32, #tpu.memory_space<hbm>> -> memref<128x64xf32, #tpu.memory_space<hbm>>
      %dma_start3A_577 = arith.constant 0 : i32
      %dma_start3A_578 = arith.constant 0 : i32
      %dma_start3A_579 = tpu.memref_slice %arg8[%dma_start3A_568, %dma_start3A_577, %dma_start3A_578] : memref<5x128x128xf32, #tpu.memory_space<vmem>> -> memref<1x128x64xf32, #tpu.memory_space<vmem>>
      %dma_start3A_580 = tpu.memref_squeeze %dma_start3A_579 : memref<1x128x64xf32, #tpu.memory_space<vmem>> -> memref<128x64xf32, #tpu.memory_space<vmem>>
      tpu.enqueue_dma source(%dma_start3A_580 : memref<128x64xf32, #tpu.memory_space<vmem>>) target(%dma_start3A_576 : memref<128x64xf32, #tpu.memory_space<hbm>>) target_semaphore(%arg10 : memref<!tpu.dma_semaphore, #tpu.memory_space<semaphore_mem>>)
      %add3A_581 = arith.constant 5 : i32
      %add3A_582 = arith.addi %add3A_554, %add3A_581 : i32
      %lt3A_583 = arith.constant 50 : i32
      %lt3A_584 = arith.cmpi slt, %add3A_582, %lt3A_583 : i32
      %convert_element_type3A_585 = arith.extui %lt3A_584 : i1 to i32
      %cond3A_586 = arith.constant 0 : i32
      %cond3A_587 = arith.cmpi ne, %convert_element_type3A_585, %cond3A_586 : i32
      scf.if %cond3A_587 {
        %add3A_625 = arith.constant 5 : i32
        %add3A_626 = arith.addi %add3A_554, %add3A_625 : i32
        %mul3A_627 = arith.constant 128 : i32
        %mul3A_628 = arith.muli %add3A_626, %mul3A_627 : i32
        %add3A_629 = arith.constant 0 : i32
        %add3A_630 = arith.addi %mul3A_628, %add3A_629 : i32
        %get3A_631 = arith.index_cast %add3A_630 : i32 to index
        %get3A_632 = tpu.vector_load %arg6[%get3A_631] {strides = array<i32>} : memref<6400xi32, #tpu.memory_space<vmem>>, vector<16xi32>,
        %get3A_633 = vector.shape_cast %get3A_632 : vector<16xi32> to vector<16xi32>
        %add3A_634 = arith.addi %get3A_633, %get3A_4 : vector<16xi32>
        %swap3A_635 = arith.index_cast %add3A_630 : i32 to index
        %swap3A_636 = tpu.vector_load %arg6[%swap3A_635] {strides = array<i32>} : memref<6400xi32, #tpu.memory_space<vmem>>, vector<16xi32>,
        %swap3A_637 = vector.shape_cast %swap3A_636 : vector<16xi32> to vector<16xi32>
        %swap3A_638 = vector.shape_cast %add3A_634 : vector<16xi32> to vector<16xi32>
        tpu.vector_store %arg6[%swap3A_635], %swap3A_638 {strides = array<i32>} : memref<6400xi32, #tpu.memory_space<vmem>>, vector<16xi32>,
        %mul3A_639 = arith.constant 128 : i32
        %mul3A_640 = arith.muli %add3A_626, %mul3A_639 : i32
        %add3A_641 = arith.constant 16 : i32
        %add3A_642 = arith.addi %mul3A_640, %add3A_641 : i32
        %get3A_643 = arith.index_cast %add3A_642 : i32 to index
        %get3A_644 = tpu.vector_load %arg6[%get3A_643] {strides = array<i32>} : memref<6400xi32, #tpu.memory_space<vmem>>, vector<16xi32>,
        %get3A_645 = vector.shape_cast %get3A_644 : vector<16xi32> to vector<16xi32>
        %add3A_646 = arith.addi %get3A_645, %get3A_4 : vector<16xi32>
        %swap3A_647 = arith.index_cast %add3A_642 : i32 to index
        %swap3A_648 = tpu.vector_load %arg6[%swap3A_647] {strides = array<i32>} : memref<6400xi32, #tpu.memory_space<vmem>>, vector<16xi32>,
        %swap3A_649 = vector.shape_cast %swap3A_648 : vector<16xi32> to vector<16xi32>
        %swap3A_650 = vector.shape_cast %add3A_646 : vector<16xi32> to vector<16xi32>
        tpu.vector_store %arg6[%swap3A_647], %swap3A_650 {strides = array<i32>} : memref<6400xi32, #tpu.memory_space<vmem>>, vector<16xi32>,
        %mul3A_651 = arith.constant 128 : i32
        %mul3A_652 = arith.muli %add3A_626, %mul3A_651 : i32
        %add3A_653 = arith.constant 32 : i32
        %add3A_654 = arith.addi %mul3A_652, %add3A_653 : i32
        %get3A_655 = arith.index_cast %add3A_654 : i32 to index
        %get3A_656 = tpu.vector_load %arg6[%get3A_655] {strides = array<i32>} : memref<6400xi32, #tpu.memory_space<vmem>>, vector<16xi32>,
        %get3A_657 = vector.shape_cast %get3A_656 : vector<16xi32> to vector<16xi32>
        %add3A_658 = arith.addi %get3A_657, %get3A_4 : vector<16xi32>
        %swap3A_659 = arith.index_cast %add3A_654 : i32 to index
        %swap3A_660 = tpu.vector_load %arg6[%swap3A_659] {strides = array<i32>} : memref<6400xi32, #tpu.memory_space<vmem>>, vector<16xi32>,
        %swap3A_661 = vector.shape_cast %swap3A_660 : vector<16xi32> to vector<16xi32>
        %swap3A_662 = vector.shape_cast %add3A_658 : vector<16xi32> to vector<16xi32>
        tpu.vector_store %arg6[%swap3A_659], %swap3A_662 {strides = array<i32>} : memref<6400xi32, #tpu.memory_space<vmem>>, vector<16xi32>,
        %mul3A_663 = arith.constant 128 : i32
        %mul3A_664 = arith.muli %add3A_626, %mul3A_663 : i32
        %add3A_665 = arith.constant 48 : i32
        %add3A_666 = arith.addi %mul3A_664, %add3A_665 : i32
        %get3A_667 = arith.index_cast %add3A_666 : i32 to index
        %get3A_668 = tpu.vector_load %arg6[%get3A_667] {strides = array<i32>} : memref<6400xi32, #tpu.memory_space<vmem>>, vector<16xi32>,
        %get3A_669 = vector.shape_cast %get3A_668 : vector<16xi32> to vector<16xi32>
        %add3A_670 = arith.addi %get3A_669, %get3A_4 : vector<16xi32>
        %swap3A_671 = arith.index_cast %add3A_666 : i32 to index
        %swap3A_672 = tpu.vector_load %arg6[%swap3A_671] {strides = array<i32>} : memref<6400xi32, #tpu.memory_space<vmem>>, vector<16xi32>,
        %swap3A_673 = vector.shape_cast %swap3A_672 : vector<16xi32> to vector<16xi32>
        %swap3A_674 = vector.shape_cast %add3A_670 : vector<16xi32> to vector<16xi32>
        tpu.vector_store %arg6[%swap3A_671], %swap3A_674 {strides = array<i32>} : memref<6400xi32, #tpu.memory_space<vmem>>, vector<16xi32>,
        %mul3A_675 = arith.constant 128 : i32
        %mul3A_676 = arith.muli %add3A_626, %mul3A_675 : i32
        %add3A_677 = arith.constant 64 : i32
        %add3A_678 = arith.addi %mul3A_676, %add3A_677 : i32
        %get3A_679 = arith.index_cast %add3A_678 : i32 to index
        %get3A_680 = tpu.vector_load %arg6[%get3A_679] {strides = array<i32>} : memref<6400xi32, #tpu.memory_space<vmem>>, vector<16xi32>,
        %get3A_681 = vector.shape_cast %get3A_680 : vector<16xi32> to vector<16xi32>
        %add3A_682 = arith.addi %get3A_681, %get3A_4 : vector<16xi32>
        %swap3A_683 = arith.index_cast %add3A_678 : i32 to index
        %swap3A_684 = tpu.vector_load %arg6[%swap3A_683] {strides = array<i32>} : memref<6400xi32, #tpu.memory_space<vmem>>, vector<16xi32>,
        %swap3A_685 = vector.shape_cast %swap3A_684 : vector<16xi32> to vector<16xi32>
        %swap3A_686 = vector.shape_cast %add3A_682 : vector<16xi32> to vector<16xi32>
        tpu.vector_store %arg6[%swap3A_683], %swap3A_686 {strides = array<i32>} : memref<6400xi32, #tpu.memory_space<vmem>>, vector<16xi32>,
        %mul3A_687 = arith.constant 128 : i32
        %mul3A_688 = arith.muli %add3A_626, %mul3A_687 : i32
        %add3A_689 = arith.constant 80 : i32
        %add3A_690 = arith.addi %mul3A_688, %add3A_689 : i32
        %get3A_691 = arith.index_cast %add3A_690 : i32 to index
        %get3A_692 = tpu.vector_load %arg6[%get3A_691] {strides = array<i32>} : memref<6400xi32, #tpu.memory_space<vmem>>, vector<16xi32>,
        %get3A_693 = vector.shape_cast %get3A_692 : vector<16xi32> to vector<16xi32>
        %add3A_694 = arith.addi %get3A_693, %get3A_4 : vector<16xi32>
        %swap3A_695 = arith.index_cast %add3A_690 : i32 to index
        %swap3A_696 = tpu.vector_load %arg6[%swap3A_695] {strides = array<i32>} : memref<6400xi32, #tpu.memory_space<vmem>>, vector<16xi32>,
        %swap3A_697 = vector.shape_cast %swap3A_696 : vector<16xi32> to vector<16xi32>
        %swap3A_698 = vector.shape_cast %add3A_694 : vector<16xi32> to vector<16xi32>
        tpu.vector_store %arg6[%swap3A_695], %swap3A_698 {strides = array<i32>} : memref<6400xi32, #tpu.memory_space<vmem>>, vector<16xi32>,
        %mul3A_699 = arith.constant 128 : i32
        %mul3A_700 = arith.muli %add3A_626, %mul3A_699 : i32
        %add3A_701 = arith.constant 96 : i32
        %add3A_702 = arith.addi %mul3A_700, %add3A_701 : i32
        %get3A_703 = arith.index_cast %add3A_702 : i32 to index
        %get3A_704 = tpu.vector_load %arg6[%get3A_703] {strides = array<i32>} : memref<6400xi32, #tpu.memory_space<vmem>>, vector<16xi32>,
        %get3A_705 = vector.shape_cast %get3A_704 : vector<16xi32> to vector<16xi32>
        %add3A_706 = arith.addi %get3A_705, %get3A_4 : vector<16xi32>
        %swap3A_707 = arith.index_cast %add3A_702 : i32 to index
        %swap3A_708 = tpu.vector_load %arg6[%swap3A_707] {strides = array<i32>} : memref<6400xi32, #tpu.memory_space<vmem>>, vector<16xi32>,
        %swap3A_709 = vector.shape_cast %swap3A_708 : vector<16xi32> to vector<16xi32>
        %swap3A_710 = vector.shape_cast %add3A_706 : vector<16xi32> to vector<16xi32>
        tpu.vector_store %arg6[%swap3A_707], %swap3A_710 {strides = array<i32>} : memref<6400xi32, #tpu.memory_space<vmem>>, vector<16xi32>,
        %mul3A_711 = arith.constant 128 : i32
        %mul3A_712 = arith.muli %add3A_626, %mul3A_711 : i32
        %add3A_713 = arith.constant 112 : i32
        %add3A_714 = arith.addi %mul3A_712, %add3A_713 : i32
        %get3A_715 = arith.index_cast %add3A_714 : i32 to index
        %get3A_716 = tpu.vector_load %arg6[%get3A_715] {strides = array<i32>} : memref<6400xi32, #tpu.memory_space<vmem>>, vector<16xi32>,
        %get3A_717 = vector.shape_cast %get3A_716 : vector<16xi32> to vector<16xi32>
        %add3A_718 = arith.addi %get3A_717, %get3A_4 : vector<16xi32>
        %swap3A_719 = arith.index_cast %add3A_714 : i32 to index
        %swap3A_720 = tpu.vector_load %arg6[%swap3A_719] {strides = array<i32>} : memref<6400xi32, #tpu.memory_space<vmem>>, vector<16xi32>,
        %swap3A_721 = vector.shape_cast %swap3A_720 : vector<16xi32> to vector<16xi32>
        %swap3A_722 = vector.shape_cast %add3A_718 : vector<16xi32> to vector<16xi32>
        tpu.vector_store %arg6[%swap3A_719], %swap3A_722 {strides = array<i32>} : memref<6400xi32, #tpu.memory_space<vmem>>, vector<16xi32>,
        %dma_wait3A_723 = arith.constant 3 : i32
        %dma_wait3A_724 = arith.constant 0 : i32
        %dma_wait3A_725 = arith.constant 0 : i32
        %dma_wait3A_726 = tpu.memref_slice %arg8[%dma_wait3A_723, %dma_wait3A_724, %dma_wait3A_725] : memref<5x128x128xf32, #tpu.memory_space<vmem>> -> memref<1x128x64xf32, #tpu.memory_space<vmem>>
        %dma_wait3A_727 = tpu.memref_squeeze %dma_wait3A_726 : memref<1x128x64xf32, #tpu.memory_space<vmem>> -> memref<128x64xf32, #tpu.memory_space<vmem>>
        %dma_wait3A_728 = arith.constant 0 : i32
        %dma_wait3A_729 = tpu.memref_slice %arg5[%mul3A_2, %dma_wait3A_728] : memref<204800x128xf32, #tpu.memory_space<hbm>> -> memref<128x64xf32, #tpu.memory_space<hbm>>
        %dma_wait3A_730 = arith.constant 0 : i32
        %dma_wait3A_731 = arith.constant 0 : i32
        %dma_wait3A_732 = tpu.memref_slice %arg8[%dma_wait3A_723, %dma_wait3A_730, %dma_wait3A_731] : memref<5x128x128xf32, #tpu.memory_space<vmem>> -> memref<1x128x64xf32, #tpu.memory_space<vmem>>
        %dma_wait3A_733 = tpu.memref_squeeze %dma_wait3A_732 : memref<1x128x64xf32, #tpu.memory_space<vmem>> -> memref<128x64xf32, #tpu.memory_space<vmem>>
        %dma_wait3A_734 = arith.constant 0 : i32
        %dma_wait3A_735 = tpu.memref_slice %arg5[%mul3A_2, %dma_wait3A_734] : memref<204800x128xf32, #tpu.memory_space<hbm>> -> memref<128x64xf32, #tpu.memory_space<hbm>>
        tpu.wait_dma2 semaphore(%arg10 : memref<!tpu.dma_semaphore, #tpu.memory_space<semaphore_mem>>) src(%dma_wait3A_735 : memref<128x64xf32, #tpu.memory_space<hbm>>) dst(%dma_wait3A_733 : memref<128x64xf32, #tpu.memory_space<vmem>>)
        %add3A_736 = arith.constant 5 : i32
        %add3A_737 = arith.addi %add3A_554, %add3A_736 : i32
        %mul3A_738 = arith.constant 128 : i32
        %mul3A_739 = arith.muli %add3A_737, %mul3A_738 : i32
        %dma_start3A_740 = arith.constant 3 : i32
        %dma_start3A_741 = arith.constant 0 : i32
        %dma_start3A_742 = arith.constant 0 : i32
        %dma_start3A_743 = tpu.memref_slice %arg8[%dma_start3A_740, %dma_start3A_741, %dma_start3A_742] : memref<5x128x128xf32, #tpu.memory_space<vmem>> -> memref<1x128x128xf32, #tpu.memory_space<vmem>>
        %dma_start3A_744 = tpu.memref_squeeze %dma_start3A_743 : memref<1x128x128xf32, #tpu.memory_space<vmem>> -> memref<128x128xf32, #tpu.memory_space<vmem>>
        %dma_start3A_745 = tpu.memref_slice %arg6[%mul3A_739] : memref<6400xi32, #tpu.memory_space<vmem>> -> memref<128xi32, #tpu.memory_space<vmem>>
        %dma_start3A_746 = arith.constant 0 : i32
        %dma_start3A_747 = arith.constant 0 : i32
        %dma_start3A_748 = tpu.memref_slice %arg3[%dma_start3A_746, %dma_start3A_747] : memref<400000x128xf32, #tpu.memory_space<hbm>> -> memref<400000x128xf32, #tpu.memory_space<hbm>>
        tpu.enqueue_indirect_dma source(%dma_start3A_748 : memref<400000x128xf32, #tpu.memory_space<hbm>>) target(%dma_start3A_744 : memref<128x128xf32, #tpu.memory_space<vmem>>) offsets(%dma_start3A_745 : memref<128xi32, #tpu.memory_space<vmem>>) semaphore(%arg9 : memref<!tpu.dma_semaphore, #tpu.memory_space<semaphore_mem>>)
      } else {
      }
      %mul3A_588 = arith.constant 5 : i32
      %mul3A_589 = arith.muli %scan3A_442, %mul3A_588 : i32
      %add3A_590 = arith.constant 4 : i32
      %add3A_591 = arith.addi %mul3A_589, %add3A_590 : i32
      %dma_wait3A_592 = arith.constant 4 : i32
      %dma_wait3A_593 = arith.constant 0 : i32
      %dma_wait3A_594 = arith.constant 0 : i32
      %dma_wait3A_595 = tpu.memref_slice %arg8[%dma_wait3A_592, %dma_wait3A_593, %dma_wait3A_594] : memref<5x128x128xf32, #tpu.memory_space<vmem>> -> memref<1x128x128xf32, #tpu.memory_space<vmem>>
      %dma_wait3A_596 = tpu.memref_squeeze %dma_wait3A_595 : memref<1x128x128xf32, #tpu.memory_space<vmem>> -> memref<128x128xf32, #tpu.memory_space<vmem>>
      %dma_wait3A_597 = arith.constant 0 : i32
      %dma_wait3A_598 = tpu.memref_slice %arg6[%dma_wait3A_597] : memref<6400xi32, #tpu.memory_space<vmem>> -> memref<128xi32, #tpu.memory_space<vmem>>
      %dma_wait3A_599 = arith.constant 0 : i32
      %dma_wait3A_600 = arith.constant 0 : i32
      %dma_wait3A_601 = tpu.memref_slice %arg3[%dma_wait3A_599, %dma_wait3A_600] : memref<400000x128xf32, #tpu.memory_space<hbm>> -> memref<400000x128xf32, #tpu.memory_space<hbm>>
      tpu.wait_indirect_dma semaphore(%arg9 : memref<!tpu.dma_semaphore, #tpu.memory_space<semaphore_mem>>) src(%dma_wait3A_601 : memref<400000x128xf32, #tpu.memory_space<hbm>>) dst(%dma_wait3A_596 : memref<128x128xf32, #tpu.memory_space<vmem>>)
      %mul3A_602 = arith.constant 128 : i32
      %mul3A_603 = arith.muli %add3A_591, %mul3A_602 : i32
      %add3A_604 = arith.addi %mul3A_2, %mul3A_603 : i32
      %dma_start3A_605 = arith.constant 4 : i32
      %dma_start3A_606 = arith.constant 0 : i32
      %dma_start3A_607 = arith.constant 0 : i32
      %dma_start3A_608 = tpu.memref_slice %arg8[%dma_start3A_605, %dma_start3A_606, %dma_start3A_607] : memref<5x128x128xf32, #tpu.memory_space<vmem>> -> memref<1x128x64xf32, #tpu.memory_space<vmem>>
      %dma_start3A_609 = tpu.memref_squeeze %dma_start3A_608 : memref<1x128x64xf32, #tpu.memory_space<vmem>> -> memref<128x64xf32, #tpu.memory_space<vmem>>
      %dma_start3A_610 = arith.constant 0 : i32
      %dma_start3A_611 = tpu.memref_slice %arg5[%add3A_604, %dma_start3A_610] : memref<204800x128xf32, #tpu.memory_space<hbm>> -> memref<128x64xf32, #tpu.memory_space<hbm>>
      %dma_start3A_612 = arith.constant 0 : i32
      %dma_start3A_613 = tpu.memref_slice %arg5[%add3A_604, %dma_start3A_612] : memref<204800x128xf32, #tpu.memory_space<hbm>> -> memref<128x64xf32, #tpu.memory_space<hbm>>
      %dma_start3A_614 = arith.constant 0 : i32
      %dma_start3A_615 = arith.constant 0 : i32
      %dma_start3A_616 = tpu.memref_slice %arg8[%dma_start3A_605, %dma_start3A_614, %dma_start3A_615] : memref<5x128x128xf32, #tpu.memory_space<vmem>> -> memref<1x128x64xf32, #tpu.memory_space<vmem>>
      %dma_start3A_617 = tpu.memref_squeeze %dma_start3A_616 : memref<1x128x64xf32, #tpu.memory_space<vmem>> -> memref<128x64xf32, #tpu.memory_space<vmem>>
      tpu.enqueue_dma source(%dma_start3A_617 : memref<128x64xf32, #tpu.memory_space<vmem>>) target(%dma_start3A_613 : memref<128x64xf32, #tpu.memory_space<hbm>>) target_semaphore(%arg10 : memref<!tpu.dma_semaphore, #tpu.memory_space<semaphore_mem>>)
      %add3A_618 = arith.constant 5 : i32
      %add3A_619 = arith.addi %add3A_591, %add3A_618 : i32
      %lt3A_620 = arith.constant 50 : i32
      %lt3A_621 = arith.cmpi slt, %add3A_619, %lt3A_620 : i32
      %convert_element_type3A_622 = arith.extui %lt3A_621 : i1 to i32
      %cond3A_623 = arith.constant 0 : i32
      %cond3A_624 = arith.cmpi ne, %convert_element_type3A_622, %cond3A_623 : i32
      scf.if %cond3A_624 {
        %add3A_625 = arith.constant 5 : i32
        %add3A_626 = arith.addi %add3A_591, %add3A_625 : i32
        %mul3A_627 = arith.constant 128 : i32
        %mul3A_628 = arith.muli %add3A_626, %mul3A_627 : i32
        %add3A_629 = arith.constant 0 : i32
        %add3A_630 = arith.addi %mul3A_628, %add3A_629 : i32
        %get3A_631 = arith.index_cast %add3A_630 : i32 to index
        %get3A_632 = tpu.vector_load %arg6[%get3A_631] {strides = array<i32>} : memref<6400xi32, #tpu.memory_space<vmem>>, vector<16xi32>,
        %get3A_633 = vector.shape_cast %get3A_632 : vector<16xi32> to vector<16xi32>
        %add3A_634 = arith.addi %get3A_633, %get3A_4 : vector<16xi32>
        %swap3A_635 = arith.index_cast %add3A_630 : i32 to index
        %swap3A_636 = tpu.vector_load %arg6[%swap3A_635] {strides = array<i32>} : memref<6400xi32, #tpu.memory_space<vmem>>, vector<16xi32>,
        %swap3A_637 = vector.shape_cast %swap3A_636 : vector<16xi32> to vector<16xi32>
        %swap3A_638 = vector.shape_cast %add3A_634 : vector<16xi32> to vector<16xi32>
        tpu.vector_store %arg6[%swap3A_635], %swap3A_638 {strides = array<i32>} : memref<6400xi32, #tpu.memory_space<vmem>>, vector<16xi32>,
        %mul3A_639 = arith.constant 128 : i32
        %mul3A_640 = arith.muli %add3A_626, %mul3A_639 : i32
        %add3A_641 = arith.constant 16 : i32
        %add3A_642 = arith.addi %mul3A_640, %add3A_641 : i32
        %get3A_643 = arith.index_cast %add3A_642 : i32 to index
        %get3A_644 = tpu.vector_load %arg6[%get3A_643] {strides = array<i32>} : memref<6400xi32, #tpu.memory_space<vmem>>, vector<16xi32>,
        %get3A_645 = vector.shape_cast %get3A_644 : vector<16xi32> to vector<16xi32>
        %add3A_646 = arith.addi %get3A_645, %get3A_4 : vector<16xi32>
        %swap3A_647 = arith.index_cast %add3A_642 : i32 to index
        %swap3A_648 = tpu.vector_load %arg6[%swap3A_647] {strides = array<i32>} : memref<6400xi32, #tpu.memory_space<vmem>>, vector<16xi32>,
        %swap3A_649 = vector.shape_cast %swap3A_648 : vector<16xi32> to vector<16xi32>
        %swap3A_650 = vector.shape_cast %add3A_646 : vector<16xi32> to vector<16xi32>
        tpu.vector_store %arg6[%swap3A_647], %swap3A_650 {strides = array<i32>} : memref<6400xi32, #tpu.memory_space<vmem>>, vector<16xi32>,
        %mul3A_651 = arith.constant 128 : i32
        %mul3A_652 = arith.muli %add3A_626, %mul3A_651 : i32
        %add3A_653 = arith.constant 32 : i32
        %add3A_654 = arith.addi %mul3A_652, %add3A_653 : i32
        %get3A_655 = arith.index_cast %add3A_654 : i32 to index
        %get3A_656 = tpu.vector_load %arg6[%get3A_655] {strides = array<i32>} : memref<6400xi32, #tpu.memory_space<vmem>>, vector<16xi32>,
        %get3A_657 = vector.shape_cast %get3A_656 : vector<16xi32> to vector<16xi32>
        %add3A_658 = arith.addi %get3A_657, %get3A_4 : vector<16xi32>
        %swap3A_659 = arith.index_cast %add3A_654 : i32 to index
        %swap3A_660 = tpu.vector_load %arg6[%swap3A_659] {strides = array<i32>} : memref<6400xi32, #tpu.memory_space<vmem>>, vector<16xi32>,
        %swap3A_661 = vector.shape_cast %swap3A_660 : vector<16xi32> to vector<16xi32>
        %swap3A_662 = vector.shape_cast %add3A_658 : vector<16xi32> to vector<16xi32>
        tpu.vector_store %arg6[%swap3A_659], %swap3A_662 {strides = array<i32>} : memref<6400xi32, #tpu.memory_space<vmem>>, vector<16xi32>,
        %mul3A_663 = arith.constant 128 : i32
        %mul3A_664 = arith.muli %add3A_626, %mul3A_663 : i32
        %add3A_665 = arith.constant 48 : i32
        %add3A_666 = arith.addi %mul3A_664, %add3A_665 : i32
        %get3A_667 = arith.index_cast %add3A_666 : i32 to index
        %get3A_668 = tpu.vector_load %arg6[%get3A_667] {strides = array<i32>} : memref<6400xi32, #tpu.memory_space<vmem>>, vector<16xi32>,
        %get3A_669 = vector.shape_cast %get3A_668 : vector<16xi32> to vector<16xi32>
        %add3A_670 = arith.addi %get3A_669, %get3A_4 : vector<16xi32>
        %swap3A_671 = arith.index_cast %add3A_666 : i32 to index
        %swap3A_672 = tpu.vector_load %arg6[%swap3A_671] {strides = array<i32>} : memref<6400xi32, #tpu.memory_space<vmem>>, vector<16xi32>,
        %swap3A_673 = vector.shape_cast %swap3A_672 : vector<16xi32> to vector<16xi32>
        %swap3A_674 = vector.shape_cast %add3A_670 : vector<16xi32> to vector<16xi32>
        tpu.vector_store %arg6[%swap3A_671], %swap3A_674 {strides = array<i32>} : memref<6400xi32, #tpu.memory_space<vmem>>, vector<16xi32>,
        %mul3A_675 = arith.constant 128 : i32
        %mul3A_676 = arith.muli %add3A_626, %mul3A_675 : i32
        %add3A_677 = arith.constant 64 : i32
        %add3A_678 = arith.addi %mul3A_676, %add3A_677 : i32
        %get3A_679 = arith.index_cast %add3A_678 : i32 to index
        %get3A_680 = tpu.vector_load %arg6[%get3A_679] {strides = array<i32>} : memref<6400xi32, #tpu.memory_space<vmem>>, vector<16xi32>,
        %get3A_681 = vector.shape_cast %get3A_680 : vector<16xi32> to vector<16xi32>
        %add3A_682 = arith.addi %get3A_681, %get3A_4 : vector<16xi32>
        %swap3A_683 = arith.index_cast %add3A_678 : i32 to index
        %swap3A_684 = tpu.vector_load %arg6[%swap3A_683] {strides = array<i32>} : memref<6400xi32, #tpu.memory_space<vmem>>, vector<16xi32>,
        %swap3A_685 = vector.shape_cast %swap3A_684 : vector<16xi32> to vector<16xi32>
        %swap3A_686 = vector.shape_cast %add3A_682 : vector<16xi32> to vector<16xi32>
        tpu.vector_store %arg6[%swap3A_683], %swap3A_686 {strides = array<i32>} : memref<6400xi32, #tpu.memory_space<vmem>>, vector<16xi32>,
        %mul3A_687 = arith.constant 128 : i32
        %mul3A_688 = arith.muli %add3A_626, %mul3A_687 : i32
        %add3A_689 = arith.constant 80 : i32
        %add3A_690 = arith.addi %mul3A_688, %add3A_689 : i32
        %get3A_691 = arith.index_cast %add3A_690 : i32 to index
        %get3A_692 = tpu.vector_load %arg6[%get3A_691] {strides = array<i32>} : memref<6400xi32, #tpu.memory_space<vmem>>, vector<16xi32>,
        %get3A_693 = vector.shape_cast %get3A_692 : vector<16xi32> to vector<16xi32>
        %add3A_694 = arith.addi %get3A_693, %get3A_4 : vector<16xi32>
        %swap3A_695 = arith.index_cast %add3A_690 : i32 to index
        %swap3A_696 = tpu.vector_load %arg6[%swap3A_695] {strides = array<i32>} : memref<6400xi32, #tpu.memory_space<vmem>>, vector<16xi32>,
        %swap3A_697 = vector.shape_cast %swap3A_696 : vector<16xi32> to vector<16xi32>
        %swap3A_698 = vector.shape_cast %add3A_694 : vector<16xi32> to vector<16xi32>
        tpu.vector_store %arg6[%swap3A_695], %swap3A_698 {strides = array<i32>} : memref<6400xi32, #tpu.memory_space<vmem>>, vector<16xi32>,
        %mul3A_699 = arith.constant 128 : i32
        %mul3A_700 = arith.muli %add3A_626, %mul3A_699 : i32
        %add3A_701 = arith.constant 96 : i32
        %add3A_702 = arith.addi %mul3A_700, %add3A_701 : i32
        %get3A_703 = arith.index_cast %add3A_702 : i32 to index
        %get3A_704 = tpu.vector_load %arg6[%get3A_703] {strides = array<i32>} : memref<6400xi32, #tpu.memory_space<vmem>>, vector<16xi32>,
        %get3A_705 = vector.shape_cast %get3A_704 : vector<16xi32> to vector<16xi32>
        %add3A_706 = arith.addi %get3A_705, %get3A_4 : vector<16xi32>
        %swap3A_707 = arith.index_cast %add3A_702 : i32 to index
        %swap3A_708 = tpu.vector_load %arg6[%swap3A_707] {strides = array<i32>} : memref<6400xi32, #tpu.memory_space<vmem>>, vector<16xi32>,
        %swap3A_709 = vector.shape_cast %swap3A_708 : vector<16xi32> to vector<16xi32>
        %swap3A_710 = vector.shape_cast %add3A_706 : vector<16xi32> to vector<16xi32>
        tpu.vector_store %arg6[%swap3A_707], %swap3A_710 {strides = array<i32>} : memref<6400xi32, #tpu.memory_space<vmem>>, vector<16xi32>,
        %mul3A_711 = arith.constant 128 : i32
        %mul3A_712 = arith.muli %add3A_626, %mul3A_711 : i32
        %add3A_713 = arith.constant 112 : i32
        %add3A_714 = arith.addi %mul3A_712, %add3A_713 : i32
        %get3A_715 = arith.index_cast %add3A_714 : i32 to index
        %get3A_716 = tpu.vector_load %arg6[%get3A_715] {strides = array<i32>} : memref<6400xi32, #tpu.memory_space<vmem>>, vector<16xi32>,
        %get3A_717 = vector.shape_cast %get3A_716 : vector<16xi32> to vector<16xi32>
        %add3A_718 = arith.addi %get3A_717, %get3A_4 : vector<16xi32>
        %swap3A_719 = arith.index_cast %add3A_714 : i32 to index
        %swap3A_720 = tpu.vector_load %arg6[%swap3A_719] {strides = array<i32>} : memref<6400xi32, #tpu.memory_space<vmem>>, vector<16xi32>,
        %swap3A_721 = vector.shape_cast %swap3A_720 : vector<16xi32> to vector<16xi32>
        %swap3A_722 = vector.shape_cast %add3A_718 : vector<16xi32> to vector<16xi32>
        tpu.vector_store %arg6[%swap3A_719], %swap3A_722 {strides = array<i32>} : memref<6400xi32, #tpu.memory_space<vmem>>, vector<16xi32>,
        %dma_wait3A_723 = arith.constant 4 : i32
        %dma_wait3A_724 = arith.constant 0 : i32
        %dma_wait3A_725 = arith.constant 0 : i32
        %dma_wait3A_726 = tpu.memref_slice %arg8[%dma_wait3A_723, %dma_wait3A_724, %dma_wait3A_725] : memref<5x128x128xf32, #tpu.memory_space<vmem>> -> memref<1x128x64xf32, #tpu.memory_space<vmem>>
        %dma_wait3A_727 = tpu.memref_squeeze %dma_wait3A_726 : memref<1x128x64xf32, #tpu.memory_space<vmem>> -> memref<128x64xf32, #tpu.memory_space<vmem>>
        %dma_wait3A_728 = arith.constant 0 : i32
        %dma_wait3A_729 = tpu.memref_slice %arg5[%mul3A_2, %dma_wait3A_728] : memref<204800x128xf32, #tpu.memory_space<hbm>> -> memref<128x64xf32, #tpu.memory_space<hbm>>
        %dma_wait3A_730 = arith.constant 0 : i32
        %dma_wait3A_731 = arith.constant 0 : i32
        %dma_wait3A_732 = tpu.memref_slice %arg8[%dma_wait3A_723, %dma_wait3A_730, %dma_wait3A_731] : memref<5x128x128xf32, #tpu.memory_space<vmem>> -> memref<1x128x64xf32, #tpu.memory_space<vmem>>
        %dma_wait3A_733 = tpu.memref_squeeze %dma_wait3A_732 : memref<1x128x64xf32, #tpu.memory_space<vmem>> -> memref<128x64xf32, #tpu.memory_space<vmem>>
        %dma_wait3A_734 = arith.constant 0 : i32
        %dma_wait3A_735 = tpu.memref_slice %arg5[%mul3A_2, %dma_wait3A_734] : memref<204800x128xf32, #tpu.memory_space<hbm>> -> memref<128x64xf32, #tpu.memory_space<hbm>>
        tpu.wait_dma2 semaphore(%arg10 : memref<!tpu.dma_semaphore, #tpu.memory_space<semaphore_mem>>) src(%dma_wait3A_735 : memref<128x64xf32, #tpu.memory_space<hbm>>) dst(%dma_wait3A_733 : memref<128x64xf32, #tpu.memory_space<vmem>>)
        %add3A_736 = arith.constant 5 : i32
        %add3A_737 = arith.addi %add3A_591, %add3A_736 : i32
        %mul3A_738 = arith.constant 128 : i32
        %mul3A_739 = arith.muli %add3A_737, %mul3A_738 : i32
        %dma_start3A_740 = arith.constant 4 : i32
        %dma_start3A_741 = arith.constant 0 : i32
        %dma_start3A_742 = arith.constant 0 : i32
        %dma_start3A_743 = tpu.memref_slice %arg8[%dma_start3A_740, %dma_start3A_741, %dma_start3A_742] : memref<5x128x128xf32, #tpu.memory_space<vmem>> -> memref<1x128x128xf32, #tpu.memory_space<vmem>>
        %dma_start3A_744 = tpu.memref_squeeze %dma_start3A_743 : memref<1x128x128xf32, #tpu.memory_space<vmem>> -> memref<128x128xf32, #tpu.memory_space<vmem>>
        %dma_start3A_745 = tpu.memref_slice %arg6[%mul3A_739] : memref<6400xi32, #tpu.memory_space<vmem>> -> memref<128xi32, #tpu.memory_space<vmem>>
        %dma_start3A_746 = arith.constant 0 : i32
        %dma_start3A_747 = arith.constant 0 : i32
        %dma_start3A_748 = tpu.memref_slice %arg3[%dma_start3A_746, %dma_start3A_747] : memref<400000x128xf32, #tpu.memory_space<hbm>> -> memref<400000x128xf32, #tpu.memory_space<hbm>>
        tpu.enqueue_indirect_dma source(%dma_start3A_748 : memref<400000x128xf32, #tpu.memory_space<hbm>>) target(%dma_start3A_744 : memref<128x128xf32, #tpu.memory_space<vmem>>) offsets(%dma_start3A_745 : memref<128xi32, #tpu.memory_space<vmem>>) semaphore(%arg9 : memref<!tpu.dma_semaphore, #tpu.memory_space<semaphore_mem>>)
      } else {
      }
    }
    %scan3A_377 = arith.constant 10 : i32
    %dma_wait3A = arith.constant 0 : i32
    %dma_wait3A_378 = arith.constant 0 : i32
    %dma_wait3A_379 = arith.constant 0 : i32
    %dma_wait3A_380 = tpu.memref_slice %arg8[%dma_wait3A, %dma_wait3A_378, %dma_wait3A_379] : memref<5x128x128xf32, #tpu.memory_space<vmem>> -> memref<1x128x64xf32, #tpu.memory_space<vmem>>
    %dma_wait3A_381 = tpu.memref_squeeze %dma_wait3A_380 : memref<1x128x64xf32, #tpu.memory_space<vmem>> -> memref<128x64xf32, #tpu.memory_space<vmem>>
    %dma_wait3A_382 = arith.constant 0 : i32
    %dma_wait3A_383 = tpu.memref_slice %arg5[%mul3A_2, %dma_wait3A_382] : memref<204800x128xf32, #tpu.memory_space<hbm>> -> memref<128x64xf32, #tpu.memory_space<hbm>>
    %dma_wait3A_384 = arith.constant 0 : i32
    %dma_wait3A_385 = arith.constant 0 : i32
    %dma_wait3A_386 = tpu.memref_slice %arg8[%dma_wait3A, %dma_wait3A_384, %dma_wait3A_385] : memref<5x128x128xf32, #tpu.memory_space<vmem>> -> memref<1x128x64xf32, #tpu.memory_space<vmem>>
    %dma_wait3A_387 = tpu.memref_squeeze %dma_wait3A_386 : memref<1x128x64xf32, #tpu.memory_space<vmem>> -> memref<128x64xf32, #tpu.memory_space<vmem>>
    %dma_wait3A_388 = arith.constant 0 : i32
    %dma_wait3A_389 = tpu.memref_slice %arg5[%mul3A_2, %dma_wait3A_388] : memref<204800x128xf32, #tpu.memory_space<hbm>> -> memref<128x64xf32, #tpu.memory_space<hbm>>
    tpu.wait_dma2 semaphore(%arg10 : memref<!tpu.dma_semaphore, #tpu.memory_space<semaphore_mem>>) src(%dma_wait3A_389 : memref<128x64xf32, #tpu.memory_space<hbm>>) dst(%dma_wait3A_387 : memref<128x64xf32, #tpu.memory_space<vmem>>)
    %dma_wait3A_390 = arith.constant 1 : i32
    %dma_wait3A_391 = arith.constant 0 : i32
    %dma_wait3A_392 = arith.constant 0 : i32
    %dma_wait3A_393 = tpu.memref_slice %arg8[%dma_wait3A_390, %dma_wait3A_391, %dma_wait3A_392] : memref<5x128x128xf32, #tpu.memory_space<vmem>> -> memref<1x128x64xf32, #tpu.memory_space<vmem>>
    %dma_wait3A_394 = tpu.memref_squeeze %dma_wait3A_393 : memref<1x128x64xf32, #tpu.memory_space<vmem>> -> memref<128x64xf32, #tpu.memory_space<vmem>>
    %dma_wait3A_395 = arith.constant 0 : i32
    %dma_wait3A_396 = tpu.memref_slice %arg5[%mul3A_2, %dma_wait3A_395] : memref<204800x128xf32, #tpu.memory_space<hbm>> -> memref<128x64xf32, #tpu.memory_space<hbm>>
    %dma_wait3A_397 = arith.constant 0 : i32
    %dma_wait3A_398 = arith.constant 0 : i32
    %dma_wait3A_399 = tpu.memref_slice %arg8[%dma_wait3A_390, %dma_wait3A_397, %dma_wait3A_398] : memref<5x128x128xf32, #tpu.memory_space<vmem>> -> memref<1x128x64xf32, #tpu.memory_space<vmem>>
    %dma_wait3A_400 = tpu.memref_squeeze %dma_wait3A_399 : memref<1x128x64xf32, #tpu.memory_space<vmem>> -> memref<128x64xf32, #tpu.memory_space<vmem>>
    %dma_wait3A_401 = arith.constant 0 : i32
    %dma_wait3A_402 = tpu.memref_slice %arg5[%mul3A_2, %dma_wait3A_401] : memref<204800x128xf32, #tpu.memory_space<hbm>> -> memref<128x64xf32, #tpu.memory_space<hbm>>
    tpu.wait_dma2 semaphore(%arg10 : memref<!tpu.dma_semaphore, #tpu.memory_space<semaphore_mem>>) src(%dma_wait3A_402 : memref<128x64xf32, #tpu.memory_space<hbm>>) dst(%dma_wait3A_400 : memref<128x64xf32, #tpu.memory_space<vmem>>)
    %dma_wait3A_403 = arith.constant 2 : i32
    %dma_wait3A_404 = arith.constant 0 : i32
    %dma_wait3A_405 = arith.constant 0 : i32
    %dma_wait3A_406 = tpu.memref_slice %arg8[%dma_wait3A_403, %dma_wait3A_404, %dma_wait3A_405] : memref<5x128x128xf32, #tpu.memory_space<vmem>> -> memref<1x128x64xf32, #tpu.memory_space<vmem>>
    %dma_wait3A_407 = tpu.memref_squeeze %dma_wait3A_406 : memref<1x128x64xf32, #tpu.memory_space<vmem>> -> memref<128x64xf32, #tpu.memory_space<vmem>>
    %dma_wait3A_408 = arith.constant 0 : i32
    %dma_wait3A_409 = tpu.memref_slice %arg5[%mul3A_2, %dma_wait3A_408] : memref<204800x128xf32, #tpu.memory_space<hbm>> -> memref<128x64xf32, #tpu.memory_space<hbm>>
    %dma_wait3A_410 = arith.constant 0 : i32
    %dma_wait3A_411 = arith.constant 0 : i32
    %dma_wait3A_412 = tpu.memref_slice %arg8[%dma_wait3A_403, %dma_wait3A_410, %dma_wait3A_411] : memref<5x128x128xf32, #tpu.memory_space<vmem>> -> memref<1x128x64xf32, #tpu.memory_space<vmem>>
    %dma_wait3A_413 = tpu.memref_squeeze %dma_wait3A_412 : memref<1x128x64xf32, #tpu.memory_space<vmem>> -> memref<128x64xf32, #tpu.memory_space<vmem>>
    %dma_wait3A_414 = arith.constant 0 : i32
    %dma_wait3A_415 = tpu.memref_slice %arg5[%mul3A_2, %dma_wait3A_414] : memref<204800x128xf32, #tpu.memory_space<hbm>> -> memref<128x64xf32, #tpu.memory_space<hbm>>
    tpu.wait_dma2 semaphore(%arg10 : memref<!tpu.dma_semaphore, #tpu.memory_space<semaphore_mem>>) src(%dma_wait3A_415 : memref<128x64xf32, #tpu.memory_space<hbm>>) dst(%dma_wait3A_413 : memref<128x64xf32, #tpu.memory_space<vmem>>)
    %dma_wait3A_416 = arith.constant 3 : i32
    %dma_wait3A_417 = arith.constant 0 : i32
    %dma_wait3A_418 = arith.constant 0 : i32
    %dma_wait3A_419 = tpu.memref_slice %arg8[%dma_wait3A_416, %dma_wait3A_417, %dma_wait3A_418] : memref<5x128x128xf32, #tpu.memory_space<vmem>> -> memref<1x128x64xf32, #tpu.memory_space<vmem>>
    %dma_wait3A_420 = tpu.memref_squeeze %dma_wait3A_419 : memref<1x128x64xf32, #tpu.memory_space<vmem>> -> memref<128x64xf32, #tpu.memory_space<vmem>>
    %dma_wait3A_421 = arith.constant 0 : i32
    %dma_wait3A_422 = tpu.memref_slice %arg5[%mul3A_2, %dma_wait3A_421] : memref<204800x128xf32, #tpu.memory_space<hbm>> -> memref<128x64xf32, #tpu.memory_space<hbm>>
    %dma_wait3A_423 = arith.constant 0 : i32
    %dma_wait3A_424 = arith.constant 0 : i32
    %dma_wait3A_425 = tpu.memref_slice %arg8[%dma_wait3A_416, %dma_wait3A_423, %dma_wait3A_424] : memref<5x128x128xf32, #tpu.memory_space<vmem>> -> memref<1x128x64xf32, #tpu.memory_space<vmem>>
    %dma_wait3A_426 = tpu.memref_squeeze %dma_wait3A_425 : memref<1x128x64xf32, #tpu.memory_space<vmem>> -> memref<128x64xf32, #tpu.memory_space<vmem>>
    %dma_wait3A_427 = arith.constant 0 : i32
    %dma_wait3A_428 = tpu.memref_slice %arg5[%mul3A_2, %dma_wait3A_427] : memref<204800x128xf32, #tpu.memory_space<hbm>> -> memref<128x64xf32, #tpu.memory_space<hbm>>
    tpu.wait_dma2 semaphore(%arg10 : memref<!tpu.dma_semaphore, #tpu.memory_space<semaphore_mem>>) src(%dma_wait3A_428 : memref<128x64xf32, #tpu.memory_space<hbm>>) dst(%dma_wait3A_426 : memref<128x64xf32, #tpu.memory_space<vmem>>)
    %dma_wait3A_429 = arith.constant 4 : i32
    %dma_wait3A_430 = arith.constant 0 : i32
    %dma_wait3A_431 = arith.constant 0 : i32
    %dma_wait3A_432 = tpu.memref_slice %arg8[%dma_wait3A_429, %dma_wait3A_430, %dma_wait3A_431] : memref<5x128x128xf32, #tpu.memory_space<vmem>> -> memref<1x128x64xf32, #tpu.memory_space<vmem>>
    %dma_wait3A_433 = tpu.memref_squeeze %dma_wait3A_432 : memref<1x128x64xf32, #tpu.memory_space<vmem>> -> memref<128x64xf32, #tpu.memory_space<vmem>>
    %dma_wait3A_434 = arith.constant 0 : i32
    %dma_wait3A_435 = tpu.memref_slice %arg5[%mul3A_2, %dma_wait3A_434] : memref<204800x128xf32, #tpu.memory_space<hbm>> -> memref<128x64xf32, #tpu.memory_space<hbm>>
    %dma_wait3A_436 = arith.constant 0 : i32
    %dma_wait3A_437 = arith.constant 0 : i32
    %dma_wait3A_438 = tpu.memref_slice %arg8[%dma_wait3A_429, %dma_wait3A_436, %dma_wait3A_437] : memref<5x128x128xf32, #tpu.memory_space<vmem>> -> memref<1x128x64xf32, #tpu.memory_space<vmem>>
    %dma_wait3A_439 = tpu.memref_squeeze %dma_wait3A_438 : memref<1x128x64xf32, #tpu.memory_space<vmem>> -> memref<128x64xf32, #tpu.memory_space<vmem>>
    %dma_wait3A_440 = arith.constant 0 : i32
    %dma_wait3A_441 = tpu.memref_slice %arg5[%mul3A_2, %dma_wait3A_440] : memref<204800x128xf32, #tpu.memory_space<hbm>> -> memref<128x64xf32, #tpu.memory_space<hbm>>
    tpu.wait_dma2 semaphore(%arg10 : memref<!tpu.dma_semaphore, #tpu.memory_space<semaphore_mem>>) src(%dma_wait3A_441 : memref<128x64xf32, #tpu.memory_space<hbm>>) dst(%dma_wait3A_439 : memref<128x64xf32, #tpu.memory_space<vmem>>)
    return
  }
}

</mosaic_0001>

<sc_bundles>
// kernel: _run.3.cloned.1.call-start
scs
__scs_entry_jumppad:
0x0: {  	(pc) =	sbr.rel $0x88, $3  }
0x1: {  	(tag) =	ssettag $0x0;
	lr =	simm.s32 $0x1  }
0x2: {  	[smem:$0x3F9E] =	sst lr;
	_ =	strace $0xD0000000  }
0x3: {  	_ = 	snop  }
0x4: {  	_ = 	snop  }
0x5: {  	_ = 	snop  }
0x6: {  	_ = 	snop  }
0x7: {  	_ = 	snop  }
__scs_overlays_trampoline_lowered:
0x8: {  	[smem:$0x3FAD] =	sst s0  }
0x9: {  	[smem:$0x3FAE] =	sst s1  }
0xa: {  	[smem:$0x3FAF] =	sst s2  }
0xb: {  	[smem:$0x3FB0] =	sst s3  }
0xc: {  	[smem:$0x3FB1] =	sst s4  }
0xd: {  	[smem:$0x3FB2] =	sst s5  }
0xe: {  	[smem:$0x3FB3] =	sst s6  }
0xf: {  	[smem:$0x3FB4] =	sst s7  }
0x10: {  	[smem:$0x3FB5] =	sst s8  }
0x11: {  	[smem:$0x3FB6] =	sst s9;
	s0 =	simm.s32 @!p0 $0x0  }
0x12: {  	s1 =	sld [smem:$0x3F9C];
	s0 =	simm.s32 @p0 $0x1  }
0x13: {  	[smem:$0x3FB7] =	sst s0;
	s0 =	simm.s32 @!p1 $0x0  }
0x14: {  	s2 =	sld [smem:$0x3F9B];
	s0 =	simm.s32 @p1 $0x1  }
0x15: {  	[smem:$0x3FB8] =	sst s0;
	s0 =	simm.s32 @!p2 $0x0  }
0x16: {  	s3 =	sld [smem:$0x3FDB];
	s0 =	simm.s32 @p2 $0x1  }
0x17: {  	s4 =	simm.s32 $0x1BF5;
	[smem:$0x3FBA] =	sst s0  }
0x18: {  	s0 =	sld [smem:$0x3F9D];
	_ =	swait.ge [sflag:s4], $0x0  }
0x19: {  	s7 =	sld [smem:$0x3F9E]  }
0x1a: {  	s8 =	sadd.s32 $0xFFFFE003, lr  }
0x1b: {  	s9 =	sadd.s32 $0xFFFFFEF7, lr;
	s5 =	simm.s32 $0xFFFFFFFF;
	p2 =	slt.u32 s8, $0xFFFFF086  }
0x1c: {  	p1 =	slt.u32 s9, $0xF7A;
	s5 =	simm.s32 @!p2 $0x0  }
0x1d: {  	s5 =	simm.s32 @p1 $0x1;
	p0 =	seq.s32 s7, s2  }
0x1e: {  	s7 =	smul.u32 @!p0 $0xF7A, s2;
	p2 =	seq.s32 @!p0 s5, $0x0  }
0x1f: {  	s9 =	smul.u32 $0xF7A, s1;
	s8 =	simm.s32 @!p0 $0x1BF5;
	p2 =	por !p2, p0  }
0x20: {  	[sflag:s8] =	ssyncset.s32 @!p0 $0xFFFFF086;
	s6 =	sadd.s32 @!p0 s3, s7;
	s7 =	simm.s32 @!p0 $0x108  }
0x21: {  	s3 =	sadd.s32 s3, s9;
	s6 =	sadd.s32 @!p0 $0x88, s6;
	s7 =	simm.s32 @p2 $0x1082  }
0x22: {  	[simem:s7], [sflag:s8] =	dma.local @!p0 [hbm:s6], $0xF7A  }
0x23: {  	s9 =	sor.u32 $0xD0000000, s2;
	s6 =	simm.s32 $0x108;
	_ =	swait.ge @!p0 [sflag:s8], $0x0  }
0x24: {  	s3 =	sadd.s32 $0x88, s3;
	s6 =	simm.s32 @!p1 $0x1082;
	[sflag:s4] =	ssyncset.s32 $0xFFFFF086  }
0x25: {  	[simem:s6], [sflag:s4] =	dma.local [hbm:s3], $0xF7A  }
0x26: {  	[smem:$0x3F9E] =	sst s1;
	(tag) =	ssettag s2;
	_ =	strace s9  }
0x27: {  	s1 =	sld [smem:$0x3FAE]  }
0x28: {  	s2 =	sld [smem:$0x3FAF]  }
0x29: {  	s4 =	sld [smem:$0x3FB1]  }
0x2a: {  	p0 =	seq.s32 s5, $0x0;
	s5 =	sld [smem:$0x3FB2]  }
0x2b: {  	s6 =	sld [smem:$0x3FB3]  }
0x2c: {  	s7 =	sld [smem:$0x3FB4]  }
0x2d: {  	s3 =	simm.s32 $0x108;
	s8 =	sld [smem:$0x3FB5]  }
0x2e: {  	s3 =	simm.s32 @!p0 $0x1082;
	s9 =	sld [smem:$0x3FB6]  }
0x2f: {  	lr =	sadd.s32 s0, s3;
	s0 =	sld [smem:$0x3FAD]  }
0x30: {  	s3 =	sld [smem:$0x3FB0]  }
0x31: {  	[smem:$0x3FB9] =	sst s10  }
0x32: {  	s10 =	sld [smem:$0x3FB7];
	_ =	sdelay $0x3  }
0x33: {  	p0 =	seq.s32 s10, $0x1;
	s10 =	sld [smem:$0x3FB9];
	_ =	sdelay $0x3  }
0x34: {  	[smem:$0x3FB9] =	sst s10  }
0x35: {  	s10 =	sld [smem:$0x3FB8];
	_ =	sdelay $0x3  }
0x36: {  	p1 =	seq.s32 s10, $0x1;
	s10 =	sld [smem:$0x3FB9];
	_ =	sdelay $0x3  }
0x37: {  	[smem:$0x3FB9] =	sst s10  }
0x38: {  	s10 =	sld [smem:$0x3FBA]  }
0x39: {  	_ = 	snop;
	(pc) =	sbr.ind lr, $3  }
0x3a: {  	_ = 	snop  }
0x3b: {  	_ = 	snop  }
0x3c: {  	p2 =	seq.s32 s10, $0x1;
	s10 =	sld [smem:$0x3FB9]  }
0x3d: {  	_ =	shalt  }
0x3e: {  	_ =	shalt  }
0x3f: {  	_ =	shalt  }
0x40: {  	_ =	shalt  }
0x41: {  	_ =	shalt  }
0x42: {  	_ =	shalt  }
0x43: {  	_ =	shalt  }
0x44: {  	_ =	shalt  }
0x45: {  	_ =	shalt  }
0x46: {  	_ =	shalt  }
0x47: {  	_ =	shalt  }
0x48: {  	_ =	shalt  }
0x49: {  	_ =	shalt  }
0x4a: {  	_ =	shalt  }
0x4b: {  	_ =	shalt  }
0x4c: {  	_ =	shalt  }
0x4d: {  	_ =	shalt  }
0x4e: {  	_ =	shalt  }
0x4f: {  	_ =	shalt  }
0x50: {  	_ =	shalt  }
0x51: {  	_ =	shalt  }
0x52: {  	_ =	shalt  }
0x53: {  	_ =	shalt  }
0x54: {  	_ =	shalt  }
0x55: {  	_ =	shalt  }
0x56: {  	_ =	shalt  }
0x57: {  	_ =	shalt  }
0x58: {  	_ =	shalt  }
0x59: {  	_ =	shalt  }
0x5a: {  	_ =	shalt  }
0x5b: {  	_ =	shalt  }
0x5c: {  	_ =	shalt  }
0x5d: {  	_ =	shalt  }
0x5e: {  	_ =	shalt  }
0x5f: {  	_ =	shalt  }
0x60: {  	_ =	shalt  }
0x61: {  	_ =	shalt  }
0x62: {  	_ =	shalt  }
0x63: {  	_ =	shalt  }
0x64: {  	_ =	shalt  }
0x65: {  	_ =	shalt  }
0x66: {  	_ =	shalt  }
0x67: {  	_ =	shalt  }
0x68: {  	_ =	shalt  }
0x69: {  	_ =	shalt  }
0x6a: {  	_ =	shalt  }
0x6b: {  	_ =	shalt  }
0x6c: {  	_ =	shalt  }
0x6d: {  	_ =	shalt  }
0x6e: {  	_ =	shalt  }
0x6f: {  	_ =	shalt  }
0x70: {  	_ =	shalt  }
0x71: {  	_ =	shalt  }
0x72: {  	_ =	shalt  }
0x73: {  	_ =	shalt  }
0x74: {  	_ =	shalt  }
0x75: {  	_ =	shalt  }
0x76: {  	_ =	shalt  }
0x77: {  	_ =	shalt  }
0x78: {  	_ =	shalt  }
0x79: {  	_ =	shalt  }
0x7a: {  	_ =	shalt  }
0x7b: {  	_ =	shalt  }
0x7c: {  	_ =	shalt  }
0x7d: {  	_ =	shalt  }
0x7e: {  	_ =	shalt  }
0x7f: {  	_ =	shalt  }
0x80: {  	_ =	shalt  }
0x81: {  	_ =	shalt  }
0x82: {  	_ =	shalt  }
0x83: {  	_ =	shalt  }
0x84: {  	_ =	shalt  }
0x85: {  	_ =	shalt  }
0x86: {  	_ =	shalt  }
0x87: {  	_ =	shalt  }
.Lfunc_end0:
.L_simem_size_0:
called_computation_lowered:
.L_overlay_start_0:
0x88: {  	s2 =	sld [smem:$0x3FD9]  }
0x89: {  	s3 =	sld [smem:$0x3FFE];
	_ =	sdelay $0x1  }
0x8a: {  	s1 =	srdreg.scid  }
0x8b: {  	s0 =	sand.u32 $0x1, s1  }
0x8c: {  	s18 =	sshll.u32 s0, $0xA;
	s2 =	sadd.s32 s3, s2  }
0x8d: {  	s2 =	sadd.s32 s2, s18  }
0x8e: {  	[smem:$0x3FC5] =	sst s2  }
0x8f: {  	_ = 	snop  }
0x90: {  	s2 =	sld [smem:$0x3FC9]  }
0x91: {  	s19 =	sld [smem:$0x3FC8]  }
0x92: {  	s4 =	sld [smem:$0x3FC7]  }
0x93: {  	s5 =	sld [smem:$0x3FD0];
	(tm) =	ssettm $0x1  }
0x94: {  	s6 =	sld [smem:$0x3FFB];
	_ =	sdelay $0x3  }
0x95: {  	_ =	strace s6  }
0x96: {  	s6 =	sld [smem:$0x3FFC];
	_ =	sdelay $0x3  }
0x97: {  	_ =	strace s6  }
0x98: {  	s6 =	sld [smem:$0x3FFD];
	_ =	sdelay $0x3  }
0x99: {  	_ =	strace s6  }
0x9a: {  	_ =	strace $0x8FFFFFFF  }
0x9b: {  	s20 =	sld [smem:$0x3FDB];
	_ =	sdelay $0x1  }
0x9c: {  	s7 =	simm.s32 $_scs_section_size  }
0x9d: {  	s8 =	simm.s32 $_size__tile_overlayer_lowered;
	s9 =	simm.s32 $_tile_overlayer_lowered  }
0x9e: {  	s23 =	simm.s32 $0x1BFF;
	s22 =	sshll.u32 s9, $0x1;
	s6 =	sadd.s32 s7, s20  }
0x9f: {  	s10 =	simm.s32 $0x0;
	s21 =	sshll.u32 s8, $0x1;
	s8 =	sadd.s32 s22, s6  }
0xa0: {  	[timem:s10], [sflag:s23] =	dma.local [hbm:s8], s21  }
0xa1: {  	_ =	swait.ge [sflag:s23], s21  }
0xa2: {  	s7 =	ssub.s32 $0x0, s21;
	[sflag:s23] =	ssyncset.done $0x0  }
0xa3: {  	[sflag:s23] =	ssyncadd.s32 s7;
	_ =	sdelay $0x1  }
0xa4: {  	s24 =	simm.s32 $0x1B8B  }
0xa5: {  	_ =	swait.ge [sflag:s24], $0x1  }
0xa6: {  	[sflag:s24] =	ssyncset.done $0x0  }
0xa7: {  	s25 =	simm.s32 $0x1B8E;
	[sflag:s24] =	ssyncadd.s32 $0xFFFFFFFF  }
0xa8: {  	s26 =	simm.s32 $execute0_lowered;
	[smem:$0x3FD2] =	sst s25  }
0xa9: {  	s7 =	sshll.u32 s26, $0x1;
	_ =	strace $0x80000046;
	[dreg:$0x1] =	wrdreg $0xFFFFFFFF  }
0xaa: {  	s28 =	simm.s32 $_size_execute0_lowered;
	s6 =	sadd.s32 s6, s7;
	[dreg:$0x0] =	wrdreg $0x0  }
0xab: {  	s7 =	sshll.u32 s28, $0x1;
	[dreg:$0x2] =	wrdreg s6  }
0xac: {  	[dreg:$0x3] =	wrdreg s7  }
0xad: {  	[dreg:$0x4] =	wrdreg $0xC0  }
0xae: {  	_ =	task [dreg:s10], $0x5FFFF  }
0xaf: {  	[dreg:$0x1] =	wrdreg $0xFFFFFFFF  }
0xb0: {  	[dreg:$0x0] =	wrdreg $0x60  }
0xb1: {  	[dreg:$0x2] =	wrdreg s2  }
0xb2: {  	[dreg:$0x3] =	wrdreg s19  }
0xb3: {  	[dreg:$0x4] =	wrdreg s4  }
0xb4: {  	[dreg:$0x5] =	wrdreg s5  }
0xb5: {  	[dreg:$0x6] =	wrdreg $0x9  }
0xb6: {  	_ =	task.clear_ibuf [dreg:s10], $0x7FFFF;
	_ =	strace $0x90000046  }
0xb7: {  	s29 =	simm.s32 $0x9;
	_ =	strace $0x80000048  }
0xb8: {  	_ =	swait.ge [sflag:s29], $0x1  }
0xb9: {  	[sflag:s29] =	ssyncadd.s32 $0xFFFFFFFF  }
0xba: {  	_ =	strace $0x90000048  }
0xbb: {  	_ =	sfence  }
0xbc: {  	s30 =	sld [smem:$0x0];
	_ =	sdelay $0x2  }
0xbd: {  	s31 =	sshll.u32 s1, $0xD;
	s1 =	sshrl.u32 s1, $0x2  }
0xbe: {  	s3 =	sand.u32 $0x4000, s31;
	s1 =	sadd.s32 s1, s30  }
0xbf: {  	s0 =	sor.u32 s3, s0;
	s1 =	sshll.u32 s1, $0x11  }
0xc0: {  	s0 =	sor.u32 s1, s0  }
0xc1: {  	s0 =	sadd.s32 $0x8F2B, s0  }
0xc2: {  	[sflag:s0] =	ssyncadd.remote.s32 $0x1  }
0xc3: {  	_ =	sfence.sel $0xFFFF  }
0xc4: {  	[dreg:$0x0] =	wrdreg $0xFFFFFFFF;
	(pc) =	sbr.abs _section_cstart, $3  }
0xc5: {  	[dreg:$0x1] =	wrdreg $0xFFFFFFFF  }
0xc6: {  	_ =	task.clear_ibuf [dreg:s10], $0x2FFFF;
	_ =	strace $0x9FFFFFFF  }
0xc7: {  	(tm) =	ssettm $0x7FFFFFFF  }
tec
execute0_lowered:
.L_overlay_start_1:
0x0: {  	(tag) =	ssettag $0x1  }
0x1: {  	s0 =	rddreg [dreg:$0x0]  }
0x2: {  	s1 =	rddreg [dreg:$0x1]  }
0x3: {  	s2 =	srdreg.scid;
	s3 =	stileid.u32  }
0x4: {  	s4 =	rddreg [dreg:$0x3];
	s5 =	simm.s32 $0x0;
	s13 =	simm.s32 $0x3  }
0x5: {  	s14 =	simm.s32 $0x1900;
	s15 =	simm.s32 $0x80;
	s16 =	simm.s32 $0x1910  }
0x6: {  	s17 =	simm.s32 $0x5910;
	s18 =	simm.s32 $0x100;
	s19 =	simm.s32 $0x9910  }
0x7: {  	s20 =	simm.s32 $0x180;
	s2 =	sand.u32 $0x1, s2;
	s3 =	sshll.u32 s3, $0x1  }
0x8: {  	s21 =	simm.s32 $0xD910;
	s22 =	simm.s32 $0x200;
	s3 =	sor.u32 s2, s3  }
0x9: {  	s23 =	simm.s32 $0x11910;
	s24 =	simm.s32 $0x1;
	s6 =	smul.u32 $0x1900, s3  }
.Ltmp0:
0xa: {  	s25 =	simm.s32 $0x2;
	s2 =	ssub.s32 $0x2, s2;
	(pc) =	sbr.rel .LBB2_1-.Ltmp0, $4  }
0xb: {  	s26 =	simm.s32 $0x0;
	[smem:$0x7FF] =	sst s5;
	s31 =	sshrl.u32 s2, $0x1  }
0xc: {  	_ =	strace $0x80000047;
	s2 =	ssub.s32 s2, s31;
	s7 =	sshrl.u32 s6, $0x3  }
0xd: {  	s8 =	sor.u32 $0x80, s6;
	s9 =	sadd.s32 $0x100, s6;
	s10 =	sadd.s32 $0x180, s6  }
0xe: {  	s11 =	sadd.s32 $0x200, s6;
	s12 =	smax.u32 s2, $0x1;
	s7 =	sadd.s32 s0, s7  }
.LBB2_14:
0xf: {  	_ =	swait.ge [sflag:s25], $0x2000  }
0x10: {  	[sflag:s25] =	ssyncset.done $0x0  }
0x11: {  	[sflag:s25] =	ssyncadd.s32 $0xFFFFE000  }
0x12: {  	_ =	swait.ge [sflag:s25], $0x2000  }
0x13: {  	[sflag:s25] =	ssyncset.done $0x0  }
0x14: {  	[sflag:s25] =	ssyncadd.s32 $0xFFFFE000  }
0x15: {  	_ =	swait.ge [sflag:s25], $0x2000  }
0x16: {  	[sflag:s25] =	ssyncset.done $0x0  }
0x17: {  	s26 =	sadd.s32 $0x1, s26;
	[sflag:s25] =	ssyncadd.s32 $0xFFFFE000  }
0x18: {  	p0 =	sne.s32 s26, s12;
	_ =	swait.ge [sflag:s25], $0x2000  }
.Ltmp1:
0x19: {  	[sflag:s25] =	ssyncset.done $0x0;
	(pc) =	sbr.rel @!p0 .LBB2_15-.Ltmp1, $4  }
0x1a: {  	[sflag:s25] =	ssyncadd.s32 $0xFFFFE000  }
0x1b: {  	_ =	swait.ge [sflag:s25], $0x2000  }
0x1c: {  	[sflag:s25] =	ssyncset.done $0x0  }
0x1d: {  	[sflag:s25] =	ssyncadd.s32 $0xFFFFE000  }
.LBB2_1:
0x1e: {  	[tilespmem:s5], [sflag:$0x3] =	stream.linear.gather [hbm4b:s7+s5], $0x1900, $0x38;
	[tilespmem:$0x15910] =	vst v63  }
0x1f: {  	_ =	swait.ge [sflag:s13], $0x1900  }
0x20: {  	[sflag:s13] =	ssyncset.done $0x0  }
0x21: {  	[sflag:s13] =	ssyncadd.s32 $0xFFFFE700  }
0x22: {  	s0 =	rddreg [dreg:$0x2]  }
0x23: {  	[tilespmem:s14], [sflag:$0x3] =	stream.linear.gather [hbm4b:s0+s5], $0x10, $0x38;
	[tilespmem:$0x15910] =	vst v63  }
0x24: {  	_ =	swait.ge [sflag:s13], $0x10  }
0x25: {  	[sflag:s13] =	ssyncset.done $0x0  }
0x26: {  	[sflag:s13] =	ssyncadd.s32 $0xFFFFFFF0  }
0x27: {  	v0 =	vld [tilespmem:$0x1900]  }
0x28: {  	v1 =	vld [tilespmem:$0x0]  }
0x29: {  	v2 =	vld [tilespmem:$0x10]  }
0x2a: {  	v3 =	vld [tilespmem:$0x20]  }
0x2b: {  	v4 =	vld [tilespmem:$0x30]  }
0x2c: {  	v5 =	vld [tilespmem:$0x40]  }
0x2d: {  	v6 =	vld [tilespmem:$0x50];
	v1 =	vadd.s32 v0, v1  }
0x2e: {  	[tilespmem:$0x0] =	vst v1;
	v1 =	vadd.s32 v0, v2;
	v2 =	vld [tilespmem:$0x60]  }
0x2f: {  	[tilespmem:$0x10] =	vst v1;
	v1 =	vadd.s32 v0, v3;
	v3 =	vld [tilespmem:$0x70]  }
0x30: {  	[tilespmem:$0x20] =	vst v1;
	v1 =	vadd.s32 v0, v4  }
0x31: {  	[tilespmem:$0x30] =	vst v1;
	v1 =	vadd.s32 v0, v5  }
0x32: {  	[tilespmem:$0x40] =	vst v1;
	v1 =	vadd.s32 v0, v6  }
0x33: {  	[tilespmem:$0x50] =	vst v1;
	v1 =	vadd.s32 v0, v2  }
0x34: {  	[tilespmem:$0x60] =	vst v1;
	v1 =	vadd.s32 v0, v3  }
0x35: {  	[tilespmem:$0x70] =	vst v1  }
0x36: {  	[tilespmem:s16], [sflag:$0x1] =	stream.indirect.gather [hbm4b:s1+s15], $0x80, s5, s15, $0xb8;
	[tilespmem:$0x15910] =	vst v63  }
0x37: {  	v1 =	vld [tilespmem:$0x80]  }
0x38: {  	v2 =	vld [tilespmem:$0x90]  }
0x39: {  	v3 =	vld [tilespmem:$0xA0]  }
0x3a: {  	v52 =	vld [tilespmem:$0xB0]  }
0x3b: {  	v53 =	vld [tilespmem:$0xC0]  }
0x3c: {  	v54 =	vld [tilespmem:$0xD0];
	v1 =	vadd.s32 v0, v1  }
0x3d: {  	[tilespmem:$0x80] =	vst v1;
	v1 =	vadd.s32 v0, v2;
	v2 =	vld [tilespmem:$0xE0]  }
0x3e: {  	[tilespmem:$0x90] =	vst v1;
	v1 =	vadd.s32 v0, v3;
	v3 =	vld [tilespmem:$0xF0]  }
0x3f: {  	[tilespmem:$0xA0] =	vst v1;
	v1 =	vadd.s32 v0, v52  }
0x40: {  	[tilespmem:$0xB0] =	vst v1;
	v1 =	vadd.s32 v0, v53  }
0x41: {  	[tilespmem:$0xC0] =	vst v1;
	v1 =	vadd.s32 v0, v54  }
0x42: {  	[tilespmem:$0xD0] =	vst v1;
	v1 =	vadd.s32 v0, v2  }
0x43: {  	[tilespmem:$0xE0] =	vst v1;
	v1 =	vadd.s32 v0, v3  }
0x44: {  	[tilespmem:$0xF0] =	vst v1  }
0x45: {  	[tilespmem:s17], [sflag:$0x1] =	stream.indirect.gather [hbm4b:s1+s15], $0x80, s15, s15, $0xb8;
	[tilespmem:$0x15910] =	vst v63  }
0x46: {  	v1 =	vld [tilespmem:$0x100]  }
0x47: {  	v2 =	vld [tilespmem:$0x110]  }
0x48: {  	v3 =	vld [tilespmem:$0x120]  }
0x49: {  	v55 =	vld [tilespmem:$0x130]  }
0x4a: {  	v56 =	vld [tilespmem:$0x140]  }
0x4b: {  	v57 =	vld [tilespmem:$0x150];
	v1 =	vadd.s32 v0, v1  }
0x4c: {  	[tilespmem:$0x100] =	vst v1;
	v1 =	vadd.s32 v0, v2;
	v2 =	vld [tilespmem:$0x160]  }
0x4d: {  	[tilespmem:$0x110] =	vst v1;
	v1 =	vadd.s32 v0, v3;
	v3 =	vld [tilespmem:$0x170]  }
0x4e: {  	[tilespmem:$0x120] =	vst v1;
	v1 =	vadd.s32 v0, v55  }
0x4f: {  	[tilespmem:$0x130] =	vst v1;
	v1 =	vadd.s32 v0, v56  }
0x50: {  	[tilespmem:$0x140] =	vst v1;
	v1 =	vadd.s32 v0, v57  }
0x51: {  	[tilespmem:$0x150] =	vst v1;
	v1 =	vadd.s32 v0, v2  }
0x52: {  	[tilespmem:$0x160] =	vst v1;
	v1 =	vadd.s32 v0, v3  }
0x53: {  	[tilespmem:$0x170] =	vst v1  }
0x54: {  	[tilespmem:s19], [sflag:$0x1] =	stream.indirect.gather [hbm4b:s1+s15], $0x80, s18, s15, $0xb8;
	[tilespmem:$0x15910] =	vst v63  }
0x55: {  	v1 =	vld [tilespmem:$0x180]  }
0x56: {  	v2 =	vld [tilespmem:$0x190]  }
0x57: {  	v3 =	vld [tilespmem:$0x1A0]  }
0x58: {  	v58 =	vld [tilespmem:$0x1B0]  }
0x59: {  	v59 =	vld [tilespmem:$0x1C0]  }
0x5a: {  	v60 =	vld [tilespmem:$0x1D0];
	v1 =	vadd.s32 v0, v1  }
0x5b: {  	[tilespmem:$0x180] =	vst v1;
	v1 =	vadd.s32 v0, v2;
	v2 =	vld [tilespmem:$0x1E0]  }
0x5c: {  	[tilespmem:$0x190] =	vst v1;
	v1 =	vadd.s32 v0, v3;
	v3 =	vld [tilespmem:$0x1F0]  }
0x5d: {  	[tilespmem:$0x1A0] =	vst v1;
	v1 =	vadd.s32 v0, v58  }
0x5e: {  	[tilespmem:$0x1B0] =	vst v1;
	v1 =	vadd.s32 v0, v59  }
0x5f: {  	[tilespmem:$0x1C0] =	vst v1;
	v1 =	vadd.s32 v0, v60  }
0x60: {  	[tilespmem:$0x1D0] =	vst v1;
	v1 =	vadd.s32 v0, v2  }
0x61: {  	[tilespmem:$0x1E0] =	vst v1;
	v1 =	vadd.s32 v0, v3  }
0x62: {  	[tilespmem:$0x1F0] =	vst v1  }
0x63: {  	[tilespmem:s21], [sflag:$0x1] =	stream.indirect.gather [hbm4b:s1+s15], $0x80, s20, s15, $0xb8;
	[tilespmem:$0x15910] =	vst v63  }
0x64: {  	v1 =	vld [tilespmem:$0x200]  }
0x65: {  	v2 =	vld [tilespmem:$0x210]  }
0x66: {  	v3 =	vld [tilespmem:$0x220]  }
0x67: {  	v61 =	vld [tilespmem:$0x230]  }
0x68: {  	v62 =	vld [tilespmem:$0x240]  }
0x69: {  	v63 =	vld [tilespmem:$0x250];
	v1 =	vadd.s32 v0, v1  }
0x6a: {  	[tilespmem:$0x200] =	vst v1;
	v1 =	vadd.s32 v0, v2;
	v2 =	vld [tilespmem:$0x260]  }
0x6b: {  	[tilespmem:$0x210] =	vst v1;
	v1 =	vadd.s32 v0, v3;
	v3 =	vld [tilespmem:$0x270]  }
0x6c: {  	[tilespmem:$0x220] =	vst v1;
	v1 =	vadd.s32 v0, v61  }
0x6d: {  	[tilespmem:$0x230] =	vst v1;
	v1 =	vadd.s32 v0, v62  }
0x6e: {  	[tilespmem:$0x240] =	vst v1;
	v1 =	vadd.s32 v0, v63  }
0x6f: {  	[tilespmem:$0x250] =	vst v1;
	v1 =	vadd.s32 v0, v2  }
0x70: {  	[tilespmem:$0x260] =	vst v1;
	v1 =	vadd.s32 v0, v3  }
0x71: {  	s28 =	simm.s32 $0x0;
	[tilespmem:$0x270] =	vst v1  }
0x72: {  	[tilespmem:s23], [sflag:$0x1] =	stream.indirect.gather [hbm4b:s1+s15], $0x80, s22, s15, $0xb8;
	[tilespmem:$0x15910] =	vst v63  }
.LBB2_2:
0x73: {  	s29 =	smul.u32 $0x280, s28;
	_ =	sdelay $0x1  }
0x74: {  	s0 =	sadd.s32 s6, s29  }
0x75: {  	_ =	swait.ge [sflag:s24], $0x4000;
	s31 =	simm.s32 $0x1910;
	s0 =	sshll.u32 s0, $0x4  }
0x76: {  	s2 =	simm.s32 $0x10;
	[sflag:s24] =	ssyncset.done $0x0;
	s30 =	sadd.s32 s4, s0  }
0x77: {  	[sflag:s24] =	ssyncadd.s32 $0xFFFFC000;
	s0 =	simm.s32 $0x1990;
	s3 =	sadd.s32 $0x0, s30  }
.LBB2_3:
0x78: {  	[hbm4b:s3+s5] =	stream.linear.scatter [tilespmem:s31], [sflag:$0x2], $0x40, $0x38;
	[tilespmem:$0x15910] =	vst v63  }
0x79: {  	s3 =	smov.u32 s2;
	s31 =	smov.u32 s0;
	p0 =	sne.s32 s2, $0x7F0  }
.Ltmp2:
0x7a: {  	s2 =	sadd.s32 $0x10, s2;
	(pc) =	sbr.rel @p0 .LBB2_3-.Ltmp2, $2  }
0x7b: {  	_ =	sdelay $0x2  }
0x7c: {  	s0 =	sadd.s32 $0x80, s0;
	s3 =	sadd.s32 s3, s30  }
0x7d: {  	[hbm4b:s3+s5] =	stream.linear.scatter [tilespmem:s31], [sflag:$0x2], $0x40, $0x38;
	[tilespmem:$0x15910] =	vst v63  }
0x7e: {  	p0 =	seq.s32 s28, $0x9  }
0x7f: {  	v1 =	vld @!p0 [tilespmem:s29+$0x280]  }
0x80: {  	v2 =	vld @!p0 [tilespmem:s29+$0x290]  }
0x81: {  	v3 =	vld @!p0 [tilespmem:s29+$0x2A0]  }
0x82: {  	v4 =	vld @!p0 [tilespmem:s29+$0x2B0]  }
0x83: {  	v5 =	vld @!p0 [tilespmem:s29+$0x2C0]  }
0x84: {  	v6 =	vld @!p0 [tilespmem:s29+$0x2D0];
	v1 =	vadd.s32 @!p0 v0, v1  }
0x85: {  	[tilespmem:s29+$0x280] =	vst @!p0 v1;
	v1 =	vadd.s32 @!p0 v0, v2;
	v2 =	vld @!p0 [tilespmem:s29+$0x2E0]  }
0x86: {  	[tilespmem:s29+$0x290] =	vst @!p0 v1;
	v1 =	vadd.s32 @!p0 v0, v3;
	v3 =	vld @!p0 [tilespmem:s29+$0x2F0]  }
0x87: {  	[tilespmem:s29+$0x2A0] =	vst @!p0 v1;
	v1 =	vadd.s32 @!p0 v0, v4  }
0x88: {  	[tilespmem:s29+$0x2B0] =	vst @!p0 v1;
	v1 =	vadd.s32 @!p0 v0, v5  }
0x89: {  	[tilespmem:s29+$0x2C0] =	vst @!p0 v1;
	v1 =	vadd.s32 @!p0 v0, v6  }
0x8a: {  	[tilespmem:s29+$0x2D0] =	vst @!p0 v1;
	v1 =	vadd.s32 @!p0 v0, v2  }
0x8b: {  	[tilespmem:s29+$0x2E0] =	vst @!p0 v1;
	v1 =	vadd.s32 @!p0 v0, v3  }
0x8c: {  	s0 =	simm.s32 @!p0 $0x2;
	[tilespmem:s29+$0x2F0] =	vst @!p0 v1  }
0x8d: {  	_ =	swait.ge @!p0 [sflag:s0], $0x2000  }
0x8e: {  	s2 =	sadd.s32 @!p0 $0x280, s29;
	[sflag:s0] =	ssyncset.done @!p0 $0x0  }
0x8f: {  	s3 =	simm.s32 @!p0 $0x1910;
	[sflag:s0] =	ssyncadd.s32 @!p0 $0xFFFFE000;
	s0 =	simm.s32 @!p0 $0x80  }
0x90: {  	[tilespmem:s3], [sflag:$0x1] =	stream.indirect.gather @!p0 [hbm4b:s1+s0], $0x80, s2, s0, $0xb8;
	[tilespmem:$0x15910] =	vst v63  }
0x91: {  	s3 =	sadd.s32 s29, s8  }
0x92: {  	s0 =	sshll.u32 s3, $0x4  }
0x93: {  	s31 =	simm.s32 $0x5910;
	_ =	swait.ge [sflag:s24], $0x4000;
	s0 =	sand.u32 $0x1FFFF800, s0  }
0x94: {  	s2 =	simm.s32 $0x10;
	[sflag:s24] =	ssyncset.done $0x0;
	s30 =	sadd.s32 s4, s0  }
0x95: {  	[sflag:s24] =	ssyncadd.s32 $0xFFFFC000;
	s0 =	simm.s32 $0x5990;
	s3 =	sadd.s32 $0x0, s30  }
.LBB2_5:
0x96: {  	[hbm4b:s3+s5] =	stream.linear.scatter [tilespmem:s31], [sflag:$0x2], $0x40, $0x38;
	[tilespmem:$0x15910] =	vst v63  }
0x97: {  	s3 =	smov.u32 s2;
	s31 =	smov.u32 s0;
	p1 =	sne.s32 s2, $0x7F0  }
.Ltmp3:
0x98: {  	s2 =	sadd.s32 $0x10, s2;
	(pc) =	sbr.rel @p1 .LBB2_5-.Ltmp3, $2  }
0x99: {  	_ =	sdelay $0x2  }
0x9a: {  	s0 =	sadd.s32 $0x80, s0;
	s3 =	sadd.s32 s3, s30  }
0x9b: {  	[hbm4b:s3+s5] =	stream.linear.scatter [tilespmem:s31], [sflag:$0x2], $0x40, $0x38;
	[tilespmem:$0x15910] =	vst v63  }
0x9c: {  	v1 =	vld @!p0 [tilespmem:s29+$0x300]  }
0x9d: {  	v2 =	vld @!p0 [tilespmem:s29+$0x310]  }
0x9e: {  	v3 =	vld @!p0 [tilespmem:s29+$0x320]  }
0x9f: {  	v4 =	vld @!p0 [tilespmem:s29+$0x330]  }
0xa0: {  	v5 =	vld @!p0 [tilespmem:s29+$0x340]  }
0xa1: {  	v6 =	vld @!p0 [tilespmem:s29+$0x350];
	v1 =	vadd.s32 @!p0 v0, v1  }
0xa2: {  	[tilespmem:s29+$0x300] =	vst @!p0 v1;
	v1 =	vadd.s32 @!p0 v0, v2;
	v2 =	vld @!p0 [tilespmem:s29+$0x360]  }
0xa3: {  	[tilespmem:s29+$0x310] =	vst @!p0 v1;
	v1 =	vadd.s32 @!p0 v0, v3;
	v3 =	vld @!p0 [tilespmem:s29+$0x370]  }
0xa4: {  	[tilespmem:s29+$0x320] =	vst @!p0 v1;
	v1 =	vadd.s32 @!p0 v0, v4  }
0xa5: {  	[tilespmem:s29+$0x330] =	vst @!p0 v1;
	v1 =	vadd.s32 @!p0 v0, v5  }
0xa6: {  	[tilespmem:s29+$0x340] =	vst @!p0 v1;
	v1 =	vadd.s32 @!p0 v0, v6  }
0xa7: {  	[tilespmem:s29+$0x350] =	vst @!p0 v1;
	v1 =	vadd.s32 @!p0 v0, v2  }
0xa8: {  	[tilespmem:s29+$0x360] =	vst @!p0 v1;
	v1 =	vadd.s32 @!p0 v0, v3  }
0xa9: {  	s0 =	simm.s32 @!p0 $0x2;
	[tilespmem:s29+$0x370] =	vst @!p0 v1  }
0xaa: {  	_ =	swait.ge @!p0 [sflag:s0], $0x2000  }
0xab: {  	s2 =	sadd.s32 @!p0 $0x300, s29;
	[sflag:s0] =	ssyncset.done @!p0 $0x0  }
0xac: {  	s3 =	simm.s32 @!p0 $0x5910;
	[sflag:s0] =	ssyncadd.s32 @!p0 $0xFFFFE000;
	s0 =	simm.s32 @!p0 $0x80  }
0xad: {  	[tilespmem:s3], [sflag:$0x1] =	stream.indirect.gather @!p0 [hbm4b:s1+s0], $0x80, s2, s0, $0xb8;
	[tilespmem:$0x15910] =	vst v63  }
0xae: {  	s3 =	sadd.s32 s29, s9  }
0xaf: {  	s0 =	sshll.u32 s3, $0x4  }
0xb0: {  	s31 =	simm.s32 $0x9910;
	_ =	swait.ge [sflag:s24], $0x4000;
	s0 =	sand.u32 $0x1FFFF800, s0  }
0xb1: {  	s2 =	simm.s32 $0x10;
	[sflag:s24] =	ssyncset.done $0x0;
	s30 =	sadd.s32 s4, s0  }
0xb2: {  	[sflag:s24] =	ssyncadd.s32 $0xFFFFC000;
	s0 =	simm.s32 $0x9990;
	s3 =	sadd.s32 $0x0, s30  }
.LBB2_7:
0xb3: {  	[hbm4b:s3+s5] =	stream.linear.scatter [tilespmem:s31], [sflag:$0x2], $0x40, $0x38;
	[tilespmem:$0x15910] =	vst v63  }
0xb4: {  	s3 =	smov.u32 s2;
	s31 =	smov.u32 s0;
	p1 =	sne.s32 s2, $0x7F0  }
.Ltmp4:
0xb5: {  	s2 =	sadd.s32 $0x10, s2;
	(pc) =	sbr.rel @p1 .LBB2_7-.Ltmp4, $2  }
0xb6: {  	_ =	sdelay $0x2  }
0xb7: {  	s0 =	sadd.s32 $0x80, s0;
	s3 =	sadd.s32 s3, s30  }
0xb8: {  	[hbm4b:s3+s5] =	stream.linear.scatter [tilespmem:s31], [sflag:$0x2], $0x40, $0x38;
	[tilespmem:$0x15910] =	vst v63  }
0xb9: {  	v1 =	vld @!p0 [tilespmem:s29+$0x380]  }
0xba: {  	v2 =	vld @!p0 [tilespmem:s29+$0x390]  }
0xbb: {  	v3 =	vld @!p0 [tilespmem:s29+$0x3A0]  }
0xbc: {  	v4 =	vld @!p0 [tilespmem:s29+$0x3B0]  }
0xbd: {  	v5 =	vld @!p0 [tilespmem:s29+$0x3C0]  }
0xbe: {  	v6 =	vld @!p0 [tilespmem:s29+$0x3D0];
	v1 =	vadd.s32 @!p0 v0, v1  }
0xbf: {  	[tilespmem:s29+$0x380] =	vst @!p0 v1;
	v1 =	vadd.s32 @!p0 v0, v2;
	v2 =	vld @!p0 [tilespmem:s29+$0x3E0]  }
0xc0: {  	[tilespmem:s29+$0x390] =	vst @!p0 v1;
	v1 =	vadd.s32 @!p0 v0, v3;
	v3 =	vld @!p0 [tilespmem:s29+$0x3F0]  }
0xc1: {  	[tilespmem:s29+$0x3A0] =	vst @!p0 v1;
	v1 =	vadd.s32 @!p0 v0, v4  }
0xc2: {  	[tilespmem:s29+$0x3B0] =	vst @!p0 v1;
	v1 =	vadd.s32 @!p0 v0, v5  }
0xc3: {  	[tilespmem:s29+$0x3C0] =	vst @!p0 v1;
	v1 =	vadd.s32 @!p0 v0, v6  }
0xc4: {  	[tilespmem:s29+$0x3D0] =	vst @!p0 v1;
	v1 =	vadd.s32 @!p0 v0, v2  }
0xc5: {  	[tilespmem:s29+$0x3E0] =	vst @!p0 v1;
	v1 =	vadd.s32 @!p0 v0, v3  }
0xc6: {  	s0 =	simm.s32 @!p0 $0x2;
	[tilespmem:s29+$0x3F0] =	vst @!p0 v1  }
0xc7: {  	_ =	swait.ge @!p0 [sflag:s0], $0x2000  }
0xc8: {  	s2 =	sadd.s32 @!p0 $0x380, s29;
	[sflag:s0] =	ssyncset.done @!p0 $0x0  }
0xc9: {  	s3 =	simm.s32 @!p0 $0x9910;
	[sflag:s0] =	ssyncadd.s32 @!p0 $0xFFFFE000;
	s0 =	simm.s32 @!p0 $0x80  }
0xca: {  	[tilespmem:s3], [sflag:$0x1] =	stream.indirect.gather @!p0 [hbm4b:s1+s0], $0x80, s2, s0, $0xb8;
	[tilespmem:$0x15910] =	vst v63  }
0xcb: {  	s3 =	sadd.s32 s29, s10  }
0xcc: {  	s0 =	sshll.u32 s3, $0x4  }
0xcd: {  	s31 =	simm.s32 $0xD910;
	_ =	swait.ge [sflag:s24], $0x4000;
	s0 =	sand.u32 $0x1FFFF800, s0  }
0xce: {  	s2 =	simm.s32 $0x10;
	[sflag:s24] =	ssyncset.done $0x0;
	s30 =	sadd.s32 s4, s0  }
0xcf: {  	[sflag:s24] =	ssyncadd.s32 $0xFFFFC000;
	s0 =	simm.s32 $0xD990;
	s3 =	sadd.s32 $0x0, s30  }
.LBB2_9:
0xd0: {  	[hbm4b:s3+s5] =	stream.linear.scatter [tilespmem:s31], [sflag:$0x2], $0x40, $0x38;
	[tilespmem:$0x15910] =	vst v63  }
0xd1: {  	s3 =	smov.u32 s2;
	s31 =	smov.u32 s0;
	p1 =	sne.s32 s2, $0x7F0  }
.Ltmp5:
0xd2: {  	s2 =	sadd.s32 $0x10, s2;
	(pc) =	sbr.rel @p1 .LBB2_9-.Ltmp5, $2  }
0xd3: {  	_ =	sdelay $0x2  }
0xd4: {  	s0 =	sadd.s32 $0x80, s0;
	s3 =	sadd.s32 s3, s30  }
0xd5: {  	[hbm4b:s3+s5] =	stream.linear.scatter [tilespmem:s31], [sflag:$0x2], $0x40, $0x38;
	[tilespmem:$0x15910] =	vst v63  }
0xd6: {  	v1 =	vld @!p0 [tilespmem:s29+$0x400]  }
0xd7: {  	v2 =	vld @!p0 [tilespmem:s29+$0x410]  }
0xd8: {  	v3 =	vld @!p0 [tilespmem:s29+$0x420]  }
0xd9: {  	v4 =	vld @!p0 [tilespmem:s29+$0x430]  }
0xda: {  	v5 =	vld @!p0 [tilespmem:s29+$0x440]  }
0xdb: {  	v6 =	vld @!p0 [tilespmem:s29+$0x450];
	v1 =	vadd.s32 @!p0 v0, v1  }
0xdc: {  	[tilespmem:s29+$0x400] =	vst @!p0 v1;
	v1 =	vadd.s32 @!p0 v0, v2;
	v2 =	vld @!p0 [tilespmem:s29+$0x460]  }
0xdd: {  	[tilespmem:s29+$0x410] =	vst @!p0 v1;
	v1 =	vadd.s32 @!p0 v0, v3;
	v3 =	vld @!p0 [tilespmem:s29+$0x470]  }
0xde: {  	[tilespmem:s29+$0x420] =	vst @!p0 v1;
	v1 =	vadd.s32 @!p0 v0, v4  }
0xdf: {  	[tilespmem:s29+$0x430] =	vst @!p0 v1;
	v1 =	vadd.s32 @!p0 v0, v5  }
0xe0: {  	[tilespmem:s29+$0x440] =	vst @!p0 v1;
	v1 =	vadd.s32 @!p0 v0, v6  }
0xe1: {  	[tilespmem:s29+$0x450] =	vst @!p0 v1;
	v1 =	vadd.s32 @!p0 v0, v2  }
0xe2: {  	[tilespmem:s29+$0x460] =	vst @!p0 v1;
	v1 =	vadd.s32 @!p0 v0, v3  }
0xe3: {  	s0 =	simm.s32 @!p0 $0x2;
	[tilespmem:s29+$0x470] =	vst @!p0 v1  }
0xe4: {  	_ =	swait.ge @!p0 [sflag:s0], $0x2000  }
0xe5: {  	s2 =	sadd.s32 @!p0 $0x400, s29;
	[sflag:s0] =	ssyncset.done @!p0 $0x0  }
0xe6: {  	s3 =	simm.s32 @!p0 $0xD910;
	[sflag:s0] =	ssyncadd.s32 @!p0 $0xFFFFE000;
	s0 =	simm.s32 @!p0 $0x80  }
0xe7: {  	[tilespmem:s3], [sflag:$0x1] =	stream.indirect.gather @!p0 [hbm4b:s1+s0], $0x80, s2, s0, $0xb8;
	[tilespmem:$0x15910] =	vst v63  }
0xe8: {  	s3 =	sadd.s32 s29, s11  }
0xe9: {  	s0 =	sshll.u32 s3, $0x4  }
0xea: {  	s31 =	simm.s32 $0x11910;
	_ =	swait.ge [sflag:s24], $0x4000;
	s0 =	sand.u32 $0x1FFFF800, s0  }
0xeb: {  	s2 =	simm.s32 $0x10;
	[sflag:s24] =	ssyncset.done $0x0;
	s30 =	sadd.s32 s4, s0  }
0xec: {  	[sflag:s24] =	ssyncadd.s32 $0xFFFFC000;
	s0 =	simm.s32 $0x11990;
	s3 =	sadd.s32 $0x0, s30  }
.LBB2_11:
0xed: {  	[hbm4b:s3+s5] =	stream.linear.scatter [tilespmem:s31], [sflag:$0x2], $0x40, $0x38;
	[tilespmem:$0x15910] =	vst v63  }
0xee: {  	s3 =	smov.u32 s2;
	s31 =	smov.u32 s0;
	p1 =	sne.s32 s2, $0x7F0  }
.Ltmp6:
0xef: {  	s2 =	sadd.s32 $0x10, s2;
	(pc) =	sbr.rel @p1 .LBB2_11-.Ltmp6, $2  }
0xf0: {  	_ =	sdelay $0x2  }
0xf1: {  	s0 =	sadd.s32 $0x80, s0;
	s3 =	sadd.s32 s3, s30  }
.Ltmp7:
0xf2: {  	(pc) =	sbr.rel @p0 .LBB2_14-.Ltmp7, $2  }
0xf3: {  	_ =	sdelay $0x2  }
0xf4: {  	[hbm4b:s3+s5] =	stream.linear.scatter [tilespmem:s31], [sflag:$0x2], $0x40, $0x38;
	[tilespmem:$0x15910] =	vst v63  }
0xf5: {  	v1 =	vld [tilespmem:s29+$0x480]  }
0xf6: {  	v2 =	vld [tilespmem:s29+$0x490]  }
0xf7: {  	v3 =	vld [tilespmem:s29+$0x4A0]  }
0xf8: {  	v4 =	vld [tilespmem:s29+$0x4B0]  }
0xf9: {  	v5 =	vld [tilespmem:s29+$0x4C0]  }
0xfa: {  	v6 =	vld [tilespmem:s29+$0x4D0];
	v1 =	vadd.s32 v0, v1  }
0xfb: {  	[tilespmem:s29+$0x480] =	vst v1;
	v1 =	vadd.s32 v0, v2;
	v2 =	vld [tilespmem:s29+$0x4E0]  }
0xfc: {  	[tilespmem:s29+$0x490] =	vst v1;
	v1 =	vadd.s32 v0, v3;
	v3 =	vld [tilespmem:s29+$0x4F0]  }
0xfd: {  	[tilespmem:s29+$0x4A0] =	vst v1;
	v1 =	vadd.s32 v0, v4  }
0xfe: {  	[tilespmem:s29+$0x4B0] =	vst v1;
	v1 =	vadd.s32 v0, v5  }
0xff: {  	[tilespmem:s29+$0x4C0] =	vst v1;
	v1 =	vadd.s32 v0, v6  }
0x100: {  	[tilespmem:s29+$0x4D0] =	vst v1;
	v1 =	vadd.s32 v0, v2  }
0x101: {  	[tilespmem:s29+$0x4E0] =	vst v1;
	v1 =	vadd.s32 v0, v3  }
.Ltmp8:
0x102: {  	[tilespmem:s29+$0x4F0] =	vst v1;
	(pc) =	sbr.rel .LBB2_2-.Ltmp8, $4  }
0x103: {  	_ =	swait.ge [sflag:s25], $0x2000  }
0x104: {  	[sflag:s25] =	ssyncset.done $0x0  }
0x105: {  	s0 =	sadd.s32 $0x480, s29;
	s28 =	sadd.s32 $0x1, s28;
	[sflag:s25] =	ssyncadd.s32 $0xFFFFE000  }
0x106: {  	[tilespmem:s23], [sflag:$0x1] =	stream.indirect.gather [hbm4b:s1+s15], $0x80, s0, s15, $0xb8;
	[tilespmem:$0x15910] =	vst v63  }
.LBB2_15:
0x107: {  	_ =	sfence.sel $0x180000  }
0x108: {  	[bflag:$0x0] =	sbarrier.arrive $0xFFFF  }
0x109: {  	_ =	strace $0x90000047  }
0x10a: {  	s0 =	stileid.u32;
	[bflag:$0x2] =	sbarrier.arrive $0xFFFF  }
0x10b: {  	p0 =	sne.s32 s0, $0x0;
	s0 =	rddreg [dreg:$0x4]  }
0x10c: {  	s0 =	sadd.s32 @!p0 $0x100000, s0  }
0x10d: {  	[sflag:s0] =	ssyncadd.tile.s32 @!p0 $0x1;
	_ =	shalt  }
.Lfunc_end2:
_tile_overlayer_lowered:
.L_overlay_start_2:
0x10e: {  	(tag) =	ssettag $0x2  }
0x10f: {  	s0 =	rddreg [dreg:$0x0];
	s2 =	stileid.u32  }
0x110: {  	s1 =	rddreg [dreg:$0x1];
	p0 =	sne.s32 s2, $0x0  }
0x111: {  	s3 =	rddreg [dreg:$0x2];
	[bflag:$0x3] =	sbarrier.arrive $0xFFFF;
	s2 =	simm.s32 @!p0 $0x1C03  }
0x112: {  	[timem:s3], [sflag:s2] =	dma.local @!p0 [hbm:s0], s1  }
0x113: {  	s0 =	simm.s32 @!p0 $0x3  }
0x114: {  	_ =	swait.ge @!p0 [sflag:s0], s1  }
0x115: {  	s1 =	ssub.s32 @!p0 $0x0, s1;
	[sflag:s0] =	ssyncset.done @!p0 $0x0  }
0x116: {  	[sflag:s0] =	ssyncadd.s32 @!p0 s1  }
0x117: {  	[bflag:$0x3] =	sbarrier.arrive $0xFFFF  }
0x118: {  	_ =	shalt  }

</sc_bundles>
